<compile_context>
chip_gen: v7x
topology: tpu7x:2x2x1
jax: 0.10.2.dev20260603
libtpu: 0.0.44.dev20260713+nightly
codegen_flags: <defaults>
</compile_context>

<pallas_src>
import functools

import jax
import jax.numpy as jnp
from jax import lax
from jax.experimental import pallas as pl
from jax.experimental.pallas import tpu as pltpu
from jax.experimental.pallas import tpu_sc as plsc

N = 10000
E = 320000
G = 64
D = 128
NC = 2
NS = 16
CH = 128
NP = 10240
RPS = NP // NS
NCH = 160
IB = 32
ESUB = NCH * CH
EPAD = ESUB * NS
RB = 512
NBLK = NC * NP // RB
NPB = NP // RB
CNB = RB // D


@functools.cache
def _sc_kernels():
    mesh = plsc.VectorSubcoreMesh(core_axis_name="c", subcore_axis_name="s",
                                  num_cores=NC, num_subcores=NS)

    CNR = NP // D

    @functools.partial(
        pl.kernel,
        out_type=jax.ShapeDtypeStruct((NC * NS * NP,), jnp.float32),
        mesh=mesh,
        scratch_types=[
            pltpu.VMEM((NCH, CH), jnp.int32),
            pltpu.VMEM((NP,), jnp.float32),
        ],
        compiler_params=pltpu.CompilerParams(needs_layout_passes=False),
    )
    def _sc_degree(dst_hbm, zeros1d_hbm, cnt_hbm, dst_v, cnt_v):
        cid = lax.axis_index("c")
        sid = lax.axis_index("s")
        wid = cid * NS + sid
        pltpu.sync_copy(zeros1d_hbm, cnt_v)
        pltpu.sync_copy(dst_hbm.at[pl.ds(wid * NCH, NCH)], dst_v)
        ones16 = jnp.ones((16,), jnp.float32)

        def step(e, carry):
            idx = dst_v[e >> 3, pl.ds((e & 7) * 16, 16)]
            plsc.addupdate_scatter(cnt_v, [idx], ones16)
            return carry

        lax.fori_loop(0, NCH * (CH // 16), step, 0)
        pltpu.sync_copy(cnt_v, cnt_hbm.at[pl.ds(wid * NP, NP)])

    @functools.partial(
        pl.kernel,
        out_type=jax.ShapeDtypeStruct((NC * NP, D), jnp.float32),
        mesh=mesh,
        scratch_types=[
            pltpu.VMEM((IB, CH), jnp.int32),
            pltpu.VMEM((IB, CH), jnp.int32),
            pltpu.VMEM((CH, D), jnp.float32),
            pltpu.VMEM((CH, D), jnp.float32),
            pltpu.SemaphoreType.DMA,
            pltpu.SemaphoreType.DMA,
            pltpu.SemaphoreType.DMA,
            pltpu.SemaphoreType.DMA,
            pltpu.SemaphoreType.DMA,
            pltpu.SemaphoreType.DMA,
            pltpu.VMEM_SHARED((NP, D), jnp.float32),
        ],
    )
    def _sc_conv(hn_hbm, src_hbm, dst_hbm, zeros_hbm, out_hbm,
                 src_v, dst_v, rows0, rows1, gs0a, gs0b, gs1a, gs1b,
                 ss0, ss1, acc):
        cid = lax.axis_index("c")
        sid = lax.axis_index("s")
        wid = cid * NS + sid
        pltpu.sync_copy(zeros_hbm, acc.at[pl.ds(sid * RPS, RPS)])
        plsc.subcore_barrier()

        H = CH // 2

        def gather(j, buf, sa, sb):
            pltpu.async_copy(hn_hbm.at[src_v.at[j, pl.ds(0, H)]],
                             buf.at[pl.ds(0, H)], sa)
            pltpu.async_copy(hn_hbm.at[src_v.at[j, pl.ds(H, H)]],
                             buf.at[pl.ds(H, H)], sb)

        def gwait(buf, sa, sb):
            pltpu.make_async_copy(hn_hbm.at[src_v.at[0, pl.ds(0, H)]],
                                  buf.at[pl.ds(0, H)], sa).wait()
            pltpu.make_async_copy(hn_hbm.at[src_v.at[0, pl.ds(H, H)]],
                                  buf.at[pl.ds(H, H)], sb).wait()

        def block(b, carry):
            base = wid * NCH + b * IB
            pltpu.sync_copy(src_hbm.at[pl.ds(base, IB)], src_v)
            pltpu.sync_copy(dst_hbm.at[pl.ds(base, IB)], dst_v)
            gather(0, rows0, gs0a, gs0b)
            gather(1, rows1, gs1a, gs1b)

            def pair(i, c2):
                j0 = 2 * i
                j1 = j0 + 1
                gwait(rows0, gs0a, gs0b)
                s0 = pltpu.async_copy(rows0, acc.at[dst_v.at[j0]], ss0,
                                      add=True)
                gwait(rows1, gs1a, gs1b)
                s1 = pltpu.async_copy(rows1, acc.at[dst_v.at[j1]], ss1,
                                      add=True)

                @pl.when(i + 1 < IB // 2)
                def _():
                    s0.wait()
                    gather(j0 + 2, rows0, gs0a, gs0b)
                    s1.wait()
                    gather(j1 + 2, rows1, gs1a, gs1b)

                @pl.when(i + 1 >= IB // 2)
                def _():
                    s0.wait()
                    s1.wait()

                return c2

            lax.fori_loop(0, IB // 2, pair, 0)
            return carry

        lax.fori_loop(0, NCH // IB, block, 0)
        plsc.subcore_barrier()
        pltpu.sync_copy(acc.at[pl.ds(sid * RPS, RPS)],
                        out_hbm.at[pl.ds(cid * NP + sid * RPS, RPS)])

    return _sc_degree, _sc_conv



def _tc_hn1_body(cnt_ref, xi_ref, emb_ref, w1_ref, out_ref):
    deg = jnp.sum(cnt_ref[...], axis=1, keepdims=True)
    dinv = lax.rsqrt(deg + 1.0)
    oh = (xi_ref[...] == lax.broadcasted_iota(jnp.int32, (RB, 16), 1)
          ).astype(jnp.float32)
    ew = jnp.dot(emb_ref[...], w1_ref[...], preferred_element_type=jnp.float32)
    h = jnp.dot(oh, ew, preferred_element_type=jnp.float32)
    out_ref[...] = h * dinv


_tc_hn1 = pl.pallas_call(
    _tc_hn1_body,
    grid=(NBLK,),
    in_specs=[
        pl.BlockSpec((RB, NS), lambda i: (i, 0)),
        pl.BlockSpec((RB, 1), lambda i: (i, 0)),
        pl.BlockSpec((16, D), lambda i: (0, 0)),
        pl.BlockSpec((D, D), lambda i: (0, 0)),
    ],
    out_specs=pl.BlockSpec((RB, D), lambda i: (i, 0)),
    out_shape=jax.ShapeDtypeStruct((NC * NP, D), jnp.float32),
)


def _tc_hn2_body(s_ref, hn_ref, cnt_ref, b_ref, w_ref, out_ref):
    deg = jnp.sum(cnt_ref[...], axis=1, keepdims=True)
    dinv = lax.rsqrt(deg + 1.0)
    o = jnp.maximum((s_ref[...] + hn_ref[...]) * dinv + b_ref[...], 0.0)
    out_ref[...] = jnp.dot(o, w_ref[...],
                           preferred_element_type=jnp.float32) * dinv


_tc_hn2 = pl.pallas_call(
    _tc_hn2_body,
    grid=(NBLK,),
    in_specs=[
        pl.BlockSpec((RB, D), lambda i: (i, 0)),
        pl.BlockSpec((RB, D), lambda i: (i, 0)),
        pl.BlockSpec((RB, NS), lambda i: (i, 0)),
        pl.BlockSpec((1, D), lambda i: (0, 0)),
        pl.BlockSpec((D, D), lambda i: (0, 0)),
    ],
    out_specs=pl.BlockSpec((RB, D), lambda i: (i, 0)),
    out_shape=jax.ShapeDtypeStruct((NC * NP, D), jnp.float32),
)


def _tc_final_body(s_ref, hn_ref, cnt_ref, bat_ref, b2_ref, fcw_ref, fcb_ref,
                   d1w_ref, d1b_ref, d2w_ref, d2b_ref, d3w_ref, d3b_ref,
                   out_ref, pool, cntg, g1s):
    g = pl.program_id(0)
    i = pl.program_id(1)

    @pl.when(i == 0)
    def _():
        pool[...] = jnp.zeros_like(pool)
        cntg[...] = jnp.zeros_like(cntg)

    deg = jnp.sum(cnt_ref[...], axis=1, keepdims=True)
    dinv = lax.rsqrt(deg + 1.0)
    o2 = jnp.maximum((s_ref[...] + hn_ref[...]) * dinv + b2_ref[...], 0.0)
    oh = (bat_ref[...] == lax.broadcasted_iota(jnp.int32, (RB, G), 1)
          ).astype(jnp.float32)
    pool[...] += lax.dot_general(oh, o2, (((0,), (0,)), ((), ())),
                                 preferred_element_type=jnp.float32)
    cntg[...] += jnp.broadcast_to(jnp.sum(oh, axis=0)[:, None], (G, D))

    @pl.when(i == NPB - 1)
    def _():
        gv = pool[...] / jnp.maximum(cntg[...], 1.0)
        fco = jnp.dot(gv, fcw_ref[...],
                      preferred_element_type=jnp.float32) + fcb_ref[...]

        @pl.when(g == 0)
        def _():
            g1s[...] = fco

        @pl.when(g == 1)
        def _():
            gs = jnp.maximum(g1s[...] + fco, 0.0)
            h = jnp.maximum(jnp.dot(gs, d1w_ref[...],
                                    preferred_element_type=jnp.float32)
                            + d1b_ref[...], 0.0)
            h = jnp.maximum(jnp.dot(h, d2w_ref[...],
                                    preferred_element_type=jnp.float32)
                            + d2b_ref[...], 0.0)
            out_ref[...] = jnp.dot(h, d3w_ref[...],
                                   preferred_element_type=jnp.float32) \
                + d3b_ref[...]


_tc_final = pl.pallas_call(
    _tc_final_body,
    grid=(NC, NPB),
    in_specs=[
        pl.BlockSpec((RB, D), lambda g, i: (g * NPB + i, 0)),
        pl.BlockSpec((RB, D), lambda g, i: (g * NPB + i, 0)),
        pl.BlockSpec((RB, NS), lambda g, i: (g * NPB + i, 0)),
        pl.BlockSpec((RB, 1), lambda g, i: (g * NPB + i, 0)),
        pl.BlockSpec((1, D), lambda g, i: (0, 0)),
        pl.BlockSpec((D, D), lambda g, i: (0, 0)),
        pl.BlockSpec((1, D), lambda g, i: (0, 0)),
        pl.BlockSpec((D, D), lambda g, i: (0, 0)),
        pl.BlockSpec((1, D), lambda g, i: (0, 0)),
        pl.BlockSpec((D, D), lambda g, i: (0, 0)),
        pl.BlockSpec((1, D), lambda g, i: (0, 0)),
        pl.BlockSpec((D, D), lambda g, i: (0, 0)),
        pl.BlockSpec((1, D), lambda g, i: (0, 0)),
    ],
    out_specs=pl.BlockSpec((G, D), lambda g, i: (0, 0)),
    out_shape=jax.ShapeDtypeStruct((G, D), jnp.float32),
    scratch_shapes=[
        pltpu.VMEM((G, D), jnp.float32),
        pltpu.VMEM((G, D), jnp.float32),
        pltpu.VMEM((G, D), jnp.float32),
    ],
)



def _prep_edges(ei, goff):
    src = ei[0].astype(jnp.int32)
    dst = ei[1].astype(jnp.int32)
    src = jnp.concatenate([src, jnp.zeros((EPAD - E,), jnp.int32)]) + goff
    dst = jnp.concatenate([dst, jnp.full((EPAD - E,), NP - 1, jnp.int32)])
    return src.reshape(NS * NCH, CH), dst.reshape(NS * NCH, CH)


def _pad_nodes(a, pad_val):
    return jnp.concatenate(
        [a.astype(jnp.int32), jnp.full((NP - N,), pad_val, jnp.int32)])


def kernel(x1, edge_index1, batch1, x2, edge_index2, batch2,
           emb, W1, b1, W2, b2, fcW, fcb, d1W, d1b, d2W, d2b, d3W, d3b):
    f32 = jnp.float32
    s1, d1 = _prep_edges(edge_index1, 0)
    s2, d2 = _prep_edges(edge_index2, NP)
    src_all = jnp.concatenate([s1, s2], 0)
    dst_all = jnp.concatenate([d1, d2], 0)

    zeros_rows = jnp.zeros((RPS, D), f32)

    xi = jnp.concatenate([_pad_nodes(x1, 0), _pad_nodes(x2, 0)]
                         ).reshape(NC * NP, 1)
    bat = jnp.concatenate([_pad_nodes(batch1, G), _pad_nodes(batch2, G)]
                          ).reshape(NC * NP, 1)
    emb_p = jnp.zeros((16, D), f32).at[:11].set(emb)

    sc_degree, sc_conv = _sc_kernels()
    cnt = sc_degree(dst_all, jnp.zeros((NP,), f32))
    cnt3 = cnt.reshape(NC, NS, NP).transpose(0, 2, 1).reshape(NC * NP, NS)
    hn1 = _tc_hn1(cnt3, xi, emb_p, W1)
    sum1 = sc_conv(hn1, src_all, dst_all, zeros_rows)
    hn2 = _tc_hn2(sum1, hn1, cnt3, b1.reshape(1, D), W2)
    sum2 = sc_conv(hn2, src_all, dst_all, zeros_rows)
    return _tc_final(sum2, hn2, cnt3, bat, b2.reshape(1, D), fcW,
                     fcb.reshape(1, D), d1W, d1b.reshape(1, D),
                     d2W, d2b.reshape(1, D), d3W, d3b.reshape(1, D))

# --- scband reference (transcript-rebuilt; emitter-appended) ---
"""Pipeline reference for scband-gcnpair-71159018160436 (READ-ONLY COPY).

The authoritative reference and input builder live on the scoring server;
editing this copy changes nothing except your own understanding.
"""

import jax, jax.numpy as jnp
import numpy as np

N = 10000
E = 320000
G = 64
EMBED_DIM = 128
HID_DIM = 128
OUT_DIM = 128


def _xavier(key, shape):
    fan_in, fan_out = shape[0], shape[1]
    limit = float(np.sqrt(6.0 / (fan_in + fan_out)))
    return jax.random.uniform(key, shape, minval=-limit, maxval=limit, dtype=jnp.float32)


def setup_inputs(seed: int = 0) -> dict:
    key = jax.random.key(seed)
    ks = jax.random.split(key, 16)
    x1 = jax.random.randint(ks[0], (N,), 0, 11)
    edge_index1 = jax.random.randint(ks[1], (2, E), 0, N)
    batch1 = jnp.sort(jax.random.randint(ks[2], (N,), 0, G))
    x2 = jax.random.randint(ks[3], (N,), 0, 11)
    edge_index2 = jax.random.randint(ks[4], (2, E), 0, N)
    batch2 = jnp.sort(jax.random.randint(ks[5], (N,), 0, G))
    emb = _xavier(ks[6], (11, EMBED_DIM))
    W1 = _xavier(ks[7], (EMBED_DIM, HID_DIM))
    b1 = jnp.zeros((HID_DIM,), jnp.float32)
    W2 = _xavier(ks[8], (HID_DIM, HID_DIM))
    b2 = jnp.zeros((HID_DIM,), jnp.float32)
    fcW = _xavier(ks[9], (HID_DIM, HID_DIM))
    fcb = jnp.zeros((HID_DIM,), jnp.float32)
    d1W = _xavier(ks[10], (HID_DIM, HID_DIM))
    d1b = jnp.zeros((HID_DIM,), jnp.float32)
    d2W = _xavier(ks[11], (HID_DIM, HID_DIM))
    d2b = jnp.zeros((HID_DIM,), jnp.float32)
    d3W = _xavier(ks[12], (HID_DIM, OUT_DIM))
    d3b = jnp.zeros((OUT_DIM,), jnp.float32)
    return {"x1": x1, "edge_index1": edge_index1, "batch1": batch1,
            "x2": x2, "edge_index2": edge_index2, "batch2": batch2,
            "emb": emb, "W1": W1, "b1": b1, "W2": W2, "b2": b2,
            "fcW": fcW, "fcb": fcb, "d1W": d1W, "d1b": d1b,
            "d2W": d2W, "d2b": d2b, "d3W": d3W, "d3b": d3b}


def _gcn_conv(x, src, dst, W, b, n):
    # GCNConv: add self-loops, symmetric deg normalization, linear transform, scatter-add
    loop = jnp.arange(n, dtype=src.dtype)
    src2 = jnp.concatenate([src, loop])
    dst2 = jnp.concatenate([dst, loop])
    deg = jax.ops.segment_sum(jnp.ones_like(src2, dtype=x.dtype), dst2, num_segments=n)
    dinv = jnp.where(deg > 0, jax.lax.rsqrt(jnp.maximum(deg, 1e-12)), 0.0)
    norm = dinv[src2] * dinv[dst2]
    h = x @ W
    msgs = h[src2] * norm[:, None]
    out = jax.ops.segment_sum(msgs, dst2, num_segments=n)
    return out + b


def _mean_pool(x, batch, g):
    s = jax.ops.segment_sum(x, batch, num_segments=g)
    cnt = jax.ops.segment_sum(jnp.ones((x.shape[0], 1), x.dtype), batch, num_segments=g)
    return s / jnp.maximum(cnt, 1.0)


def _basic_gcn(x_idx, edge_index, batch, emb, W1, b1, W2, b2, fcW, fcb):
    src, dst = edge_index[0], edge_index[1]
    x = emb[x_idx]
    x = jax.nn.relu(_gcn_conv(x, src, dst, W1, b1, N))  # dropout is identity in eval
    x = jax.nn.relu(_gcn_conv(x, src, dst, W2, b2, N))
    g = _mean_pool(x, batch, G)
    return g @ fcW + fcb


def reference(x1, edge_index1, batch1, x2, edge_index2, batch2,
              emb, W1, b1, W2, b2, fcW, fcb, d1W, d1b, d2W, d2b, d3W, d3b):
    g1 = _basic_gcn(x1, edge_index1, batch1, emb, W1, b1, W2, b2, fcW, fcb)
    g2 = _basic_gcn(x2, edge_index2, batch2, emb, W1, b1, W2, b2, fcW, fcb)
    gs = jax.nn.relu(g1 + g2)
    h = jax.nn.relu(gs @ d1W + d1b)
    h = jax.nn.relu(h @ d2W + d2b)
    return h @ d3W + d3b

if __name__ == "__main__":
    import jax
    _d = setup_inputs()
    print(jax.jit(kernel)(*tuple(_d.values())))

</pallas_src>

<mosaic_0001>
#map = affine_map<(d0, d1) -> (0, 0)>
module attributes {stable_mosaic.version = 14 : i64} {
  func.func @_sc_conv(%arg0: i32, %arg1: i32, %arg2: memref<20480x128xf32, #tpu.memory_space<hbm>>, %arg3: memref<5120x128xi32, #tpu.memory_space<hbm>>, %arg4: memref<5120x128xi32, #tpu.memory_space<hbm>>, %arg5: memref<640x128xf32, #tpu.memory_space<hbm>>, %arg6: memref<20480x128xf32, #tpu.memory_space<hbm>>, %arg7: memref<32x128xi32, #tpu.memory_space<vmem>>, %arg8: memref<32x128xi32, #tpu.memory_space<vmem>>, %arg9: memref<128x128xf32, #tpu.memory_space<vmem>>, %arg10: memref<128x128xf32, #tpu.memory_space<vmem>>, %arg11: memref<!tpu.dma_semaphore, #tpu.memory_space<semaphore_mem>>, %arg12: memref<!tpu.dma_semaphore, #tpu.memory_space<semaphore_mem>>, %arg13: memref<!tpu.dma_semaphore, #tpu.memory_space<semaphore_mem>>, %arg14: memref<!tpu.dma_semaphore, #tpu.memory_space<semaphore_mem>>, %arg15: memref<!tpu.dma_semaphore, #tpu.memory_space<semaphore_mem>>, %arg16: memref<!tpu.dma_semaphore, #tpu.memory_space<semaphore_mem>>, %arg17: memref<10240x128xf32, #tpu.memory_space<vmem_shared>>) attributes {dimension_semantics = [#tpu.dimension_semantics<core_parallel>, #tpu.dimension_semantics<subcore_parallel>], iteration_bounds = array<i64: 2, 16>, scalar_prefetch = 0 : i64, scratch_operands = 11 : i64, tpu.core_type = #tpu.core_type<sc_vector_subcore>, window_params = [{transform_indices = #map}, {transform_indices = #map}, {transform_indices = #map}, {transform_indices = #map}, {transform_indices = #map}]} {
    %mul3A = arith.constant 16 : i32
    %mul3A_0 = arith.muli %arg0, %mul3A : i32
    %add3A = arith.addi %mul3A_0, %arg1 : i32
    %mul3A_1 = arith.constant 640 : i32
    %mul3A_2 = arith.muli %arg1, %mul3A_1 : i32
    "tpu.region"() ({
      %run_scoped3A = tpu.sem_alloc : memref<!tpu.dma_semaphore, #tpu.memory_space<semaphore_mem>>
      %dma_start3A = arith.constant 0 : i32
      %dma_start3A_16 = tpu.memref_slice %arg17[%mul3A_2, %dma_start3A] : memref<10240x128xf32, #tpu.memory_space<vmem_shared>> -> memref<640x128xf32, #tpu.memory_space<vmem_shared>>
      tpu.enqueue_dma source(%arg5 : memref<640x128xf32, #tpu.memory_space<hbm>>) target(%dma_start3A_16 : memref<640x128xf32, #tpu.memory_space<vmem_shared>>) target_semaphore(%run_scoped3A : memref<!tpu.dma_semaphore, #tpu.memory_space<semaphore_mem>>)
      %dma_wait3A = arith.constant 0 : i32
      %dma_wait3A_17 = tpu.memref_slice %arg17[%mul3A_2, %dma_wait3A] : memref<10240x128xf32, #tpu.memory_space<vmem_shared>> -> memref<640x128xf32, #tpu.memory_space<vmem_shared>>
      tpu.wait_dma2 semaphore(%run_scoped3A : memref<!tpu.dma_semaphore, #tpu.memory_space<semaphore_mem>>) src(%arg5 : memref<640x128xf32, #tpu.memory_space<hbm>>) dst(%dma_wait3A_17 : memref<640x128xf32, #tpu.memory_space<vmem_shared>>)
      tpu.yield
    }) : () -> ()
    %barrier3A = arith.constant 0 : index
    tpu.barrier barrier_id(%barrier3A)
    %scan3A = arith.constant 0 : i32
    %scan3A_3 = arith.constant 0 : i32
    %scan3A_4 = arith.constant 5 : i32
    %scan3A_5 = arith.addi %scan3A_3, %scan3A_4 : i32
    %scan3A_6 = arith.constant 1 : i32
    scf.for %scan3A_16 = %scan3A_3 to %scan3A_5 step %scan3A_6  : i32 {
      %mul3A_17 = arith.constant 160 : i32
      %mul3A_18 = arith.muli %add3A, %mul3A_17 : i32
      %mul3A_19 = arith.constant 32 : i32
      %mul3A_20 = arith.muli %scan3A_16, %mul3A_19 : i32
      %add3A_21 = arith.addi %mul3A_18, %mul3A_20 : i32
      "tpu.region"() ({
        %run_scoped3A = tpu.sem_alloc : memref<!tpu.dma_semaphore, #tpu.memory_space<semaphore_mem>>
        %dma_start3A_67 = arith.constant 0 : i32
        %dma_start3A_68 = tpu.memref_slice %arg3[%add3A_21, %dma_start3A_67] : memref<5120x128xi32, #tpu.memory_space<hbm>> -> memref<32x128xi32, #tpu.memory_space<hbm>>
        %dma_start3A_69 = arith.constant 0 : i32
        %dma_start3A_70 = tpu.memref_slice %arg3[%add3A_21, %dma_start3A_69] : memref<5120x128xi32, #tpu.memory_space<hbm>> -> memref<32x128xi32, #tpu.memory_space<hbm>>
        tpu.enqueue_dma source(%dma_start3A_70 : memref<32x128xi32, #tpu.memory_space<hbm>>) target(%arg7 : memref<32x128xi32, #tpu.memory_space<vmem>>) target_semaphore(%run_scoped3A : memref<!tpu.dma_semaphore, #tpu.memory_space<semaphore_mem>>)
        %dma_wait3A = arith.constant 0 : i32
        %dma_wait3A_71 = tpu.memref_slice %arg3[%add3A_21, %dma_wait3A] : memref<5120x128xi32, #tpu.memory_space<hbm>> -> memref<32x128xi32, #tpu.memory_space<hbm>>
        %dma_wait3A_72 = arith.constant 0 : i32
        %dma_wait3A_73 = tpu.memref_slice %arg3[%add3A_21, %dma_wait3A_72] : memref<5120x128xi32, #tpu.memory_space<hbm>> -> memref<32x128xi32, #tpu.memory_space<hbm>>
        tpu.wait_dma2 semaphore(%run_scoped3A : memref<!tpu.dma_semaphore, #tpu.memory_space<semaphore_mem>>) src(%dma_wait3A_73 : memref<32x128xi32, #tpu.memory_space<hbm>>) dst(%arg7 : memref<32x128xi32, #tpu.memory_space<vmem>>)
        tpu.yield
      }) : () -> ()
      "tpu.region"() ({
        %run_scoped3A = tpu.sem_alloc : memref<!tpu.dma_semaphore, #tpu.memory_space<semaphore_mem>>
        %dma_start3A_67 = arith.constant 0 : i32
        %dma_start3A_68 = tpu.memref_slice %arg4[%add3A_21, %dma_start3A_67] : memref<5120x128xi32, #tpu.memory_space<hbm>> -> memref<32x128xi32, #tpu.memory_space<hbm>>
        %dma_start3A_69 = arith.constant 0 : i32
        %dma_start3A_70 = tpu.memref_slice %arg4[%add3A_21, %dma_start3A_69] : memref<5120x128xi32, #tpu.memory_space<hbm>> -> memref<32x128xi32, #tpu.memory_space<hbm>>
        tpu.enqueue_dma source(%dma_start3A_70 : memref<32x128xi32, #tpu.memory_space<hbm>>) target(%arg8 : memref<32x128xi32, #tpu.memory_space<vmem>>) target_semaphore(%run_scoped3A : memref<!tpu.dma_semaphore, #tpu.memory_space<semaphore_mem>>)
        %dma_wait3A = arith.constant 0 : i32
        %dma_wait3A_71 = tpu.memref_slice %arg4[%add3A_21, %dma_wait3A] : memref<5120x128xi32, #tpu.memory_space<hbm>> -> memref<32x128xi32, #tpu.memory_space<hbm>>
        %dma_wait3A_72 = arith.constant 0 : i32
        %dma_wait3A_73 = tpu.memref_slice %arg4[%add3A_21, %dma_wait3A_72] : memref<5120x128xi32, #tpu.memory_space<hbm>> -> memref<32x128xi32, #tpu.memory_space<hbm>>
        tpu.wait_dma2 semaphore(%run_scoped3A : memref<!tpu.dma_semaphore, #tpu.memory_space<semaphore_mem>>) src(%dma_wait3A_73 : memref<32x128xi32, #tpu.memory_space<hbm>>) dst(%arg8 : memref<32x128xi32, #tpu.memory_space<vmem>>)
        tpu.yield
      }) : () -> ()
      %dma_start3A = arith.constant 0 : i32
      %dma_start3A_22 = arith.constant 0 : i32
      %dma_start3A_23 = arith.constant 0 : i32
      %dma_start3A_24 = tpu.memref_slice %arg9[%dma_start3A_22, %dma_start3A_23] : memref<128x128xf32, #tpu.memory_space<vmem>> -> memref<64x128xf32, #tpu.memory_space<vmem>>
      %dma_start3A_25 = arith.constant 0 : i32
      %dma_start3A_26 = tpu.memref_slice %arg7[%dma_start3A, %dma_start3A_25] : memref<32x128xi32, #tpu.memory_space<vmem>> -> memref<1x64xi32, #tpu.memory_space<vmem>>
      %dma_start3A_27 = tpu.memref_squeeze %dma_start3A_26 : memref<1x64xi32, #tpu.memory_space<vmem>> -> memref<64xi32, #tpu.memory_space<vmem>>
      %dma_start3A_28 = arith.constant 0 : i32
      %dma_start3A_29 = arith.constant 0 : i32
      %dma_start3A_30 = tpu.memref_slice %arg2[%dma_start3A_28, %dma_start3A_29] : memref<20480x128xf32, #tpu.memory_space<hbm>> -> memref<20480x128xf32, #tpu.memory_space<hbm>>
      tpu.enqueue_indirect_dma source(%dma_start3A_30 : memref<20480x128xf32, #tpu.memory_space<hbm>>) target(%dma_start3A_24 : memref<64x128xf32, #tpu.memory_space<vmem>>) offsets(%dma_start3A_27 : memref<64xi32, #tpu.memory_space<vmem>>) semaphore(%arg11 : memref<!tpu.dma_semaphore, #tpu.memory_space<semaphore_mem>>)
      %dma_start3A_31 = arith.constant 0 : i32
      %dma_start3A_32 = arith.constant 64 : i32
      %dma_start3A_33 = arith.constant 0 : i32
      %dma_start3A_34 = tpu.memref_slice %arg9[%dma_start3A_32, %dma_start3A_33] : memref<128x128xf32, #tpu.memory_space<vmem>> -> memref<64x128xf32, #tpu.memory_space<vmem>>
      %dma_start3A_35 = arith.constant 64 : i32
      %dma_start3A_36 = tpu.memref_slice %arg7[%dma_start3A_31, %dma_start3A_35] : memref<32x128xi32, #tpu.memory_space<vmem>> -> memref<1x64xi32, #tpu.memory_space<vmem>>
      %dma_start3A_37 = tpu.memref_squeeze %dma_start3A_36 : memref<1x64xi32, #tpu.memory_space<vmem>> -> memref<64xi32, #tpu.memory_space<vmem>>
      %dma_start3A_38 = arith.constant 0 : i32
      %dma_start3A_39 = arith.constant 0 : i32
      %dma_start3A_40 = tpu.memref_slice %arg2[%dma_start3A_38, %dma_start3A_39] : memref<20480x128xf32, #tpu.memory_space<hbm>> -> memref<20480x128xf32, #tpu.memory_space<hbm>>
      tpu.enqueue_indirect_dma source(%dma_start3A_40 : memref<20480x128xf32, #tpu.memory_space<hbm>>) target(%dma_start3A_34 : memref<64x128xf32, #tpu.memory_space<vmem>>) offsets(%dma_start3A_37 : memref<64xi32, #tpu.memory_space<vmem>>) semaphore(%arg12 : memref<!tpu.dma_semaphore, #tpu.memory_space<semaphore_mem>>)
      %dma_start3A_41 = arith.constant 1 : i32
      %dma_start3A_42 = arith.constant 0 : i32
      %dma_start3A_43 = arith.constant 0 : i32
      %dma_start3A_44 = tpu.memref_slice %arg10[%dma_start3A_42, %dma_start3A_43] : memref<128x128xf32, #tpu.memory_space<vmem>> -> memref<64x128xf32, #tpu.memory_space<vmem>>
      %dma_start3A_45 = arith.constant 0 : i32
      %dma_start3A_46 = tpu.memref_slice %arg7[%dma_start3A_41, %dma_start3A_45] : memref<32x128xi32, #tpu.memory_space<vmem>> -> memref<1x64xi32, #tpu.memory_space<vmem>>
      %dma_start3A_47 = tpu.memref_squeeze %dma_start3A_46 : memref<1x64xi32, #tpu.memory_space<vmem>> -> memref<64xi32, #tpu.memory_space<vmem>>
      %dma_start3A_48 = arith.constant 0 : i32
      %dma_start3A_49 = arith.constant 0 : i32
      %dma_start3A_50 = tpu.memref_slice %arg2[%dma_start3A_48, %dma_start3A_49] : memref<20480x128xf32, #tpu.memory_space<hbm>> -> memref<20480x128xf32, #tpu.memory_space<hbm>>
      tpu.enqueue_indirect_dma source(%dma_start3A_50 : memref<20480x128xf32, #tpu.memory_space<hbm>>) target(%dma_start3A_44 : memref<64x128xf32, #tpu.memory_space<vmem>>) offsets(%dma_start3A_47 : memref<64xi32, #tpu.memory_space<vmem>>) semaphore(%arg13 : memref<!tpu.dma_semaphore, #tpu.memory_space<semaphore_mem>>)
      %dma_start3A_51 = arith.constant 1 : i32
      %dma_start3A_52 = arith.constant 64 : i32
      %dma_start3A_53 = arith.constant 0 : i32
      %dma_start3A_54 = tpu.memref_slice %arg10[%dma_start3A_52, %dma_start3A_53] : memref<128x128xf32, #tpu.memory_space<vmem>> -> memref<64x128xf32, #tpu.memory_space<vmem>>
      %dma_start3A_55 = arith.constant 64 : i32
      %dma_start3A_56 = tpu.memref_slice %arg7[%dma_start3A_51, %dma_start3A_55] : memref<32x128xi32, #tpu.memory_space<vmem>> -> memref<1x64xi32, #tpu.memory_space<vmem>>
      %dma_start3A_57 = tpu.memref_squeeze %dma_start3A_56 : memref<1x64xi32, #tpu.memory_space<vmem>> -> memref<64xi32, #tpu.memory_space<vmem>>
      %dma_start3A_58 = arith.constant 0 : i32
      %dma_start3A_59 = arith.constant 0 : i32
      %dma_start3A_60 = tpu.memref_slice %arg2[%dma_start3A_58, %dma_start3A_59] : memref<20480x128xf32, #tpu.memory_space<hbm>> -> memref<20480x128xf32, #tpu.memory_space<hbm>>
      tpu.enqueue_indirect_dma source(%dma_start3A_60 : memref<20480x128xf32, #tpu.memory_space<hbm>>) target(%dma_start3A_54 : memref<64x128xf32, #tpu.memory_space<vmem>>) offsets(%dma_start3A_57 : memref<64xi32, #tpu.memory_space<vmem>>) semaphore(%arg14 : memref<!tpu.dma_semaphore, #tpu.memory_space<semaphore_mem>>)
      %scan3A_61 = arith.constant 0 : i32
      %scan3A_62 = arith.constant 0 : i32
      %scan3A_63 = arith.constant 16 : i32
      %scan3A_64 = arith.addi %scan3A_62, %scan3A_63 : i32
      %scan3A_65 = arith.constant 1 : i32
      scf.for %scan3A_67 = %scan3A_62 to %scan3A_64 step %scan3A_65  : i32 {
        %mul3A_68 = arith.constant 2 : i32
        %mul3A_69 = arith.muli %mul3A_68, %scan3A_67 : i32
        %add3A_70 = arith.constant 1 : i32
        %add3A_71 = arith.addi %mul3A_69, %add3A_70 : i32
        %dma_wait3A = arith.constant 0 : i32
        %dma_wait3A_72 = arith.constant 0 : i32
        %dma_wait3A_73 = arith.constant 0 : i32
        %dma_wait3A_74 = tpu.memref_slice %arg9[%dma_wait3A_72, %dma_wait3A_73] : memref<128x128xf32, #tpu.memory_space<vmem>> -> memref<64x128xf32, #tpu.memory_space<vmem>>
        %dma_wait3A_75 = arith.constant 0 : i32
        %dma_wait3A_76 = tpu.memref_slice %arg7[%dma_wait3A, %dma_wait3A_75] : memref<32x128xi32, #tpu.memory_space<vmem>> -> memref<1x64xi32, #tpu.memory_space<vmem>>
        %dma_wait3A_77 = tpu.memref_squeeze %dma_wait3A_76 : memref<1x64xi32, #tpu.memory_space<vmem>> -> memref<64xi32, #tpu.memory_space<vmem>>
        %dma_wait3A_78 = arith.constant 0 : i32
        %dma_wait3A_79 = arith.constant 0 : i32
        %dma_wait3A_80 = tpu.memref_slice %arg2[%dma_wait3A_78, %dma_wait3A_79] : memref<20480x128xf32, #tpu.memory_space<hbm>> -> memref<20480x128xf32, #tpu.memory_space<hbm>>
        tpu.wait_indirect_dma semaphore(%arg11 : memref<!tpu.dma_semaphore, #tpu.memory_space<semaphore_mem>>) src(%dma_wait3A_80 : memref<20480x128xf32, #tpu.memory_space<hbm>>) dst(%dma_wait3A_74 : memref<64x128xf32, #tpu.memory_space<vmem>>)
        %dma_wait3A_81 = arith.constant 0 : i32
        %dma_wait3A_82 = arith.constant 64 : i32
        %dma_wait3A_83 = arith.constant 0 : i32
        %dma_wait3A_84 = tpu.memref_slice %arg9[%dma_wait3A_82, %dma_wait3A_83] : memref<128x128xf32, #tpu.memory_space<vmem>> -> memref<64x128xf32, #tpu.memory_space<vmem>>
        %dma_wait3A_85 = arith.constant 64 : i32
        %dma_wait3A_86 = tpu.memref_slice %arg7[%dma_wait3A_81, %dma_wait3A_85] : memref<32x128xi32, #tpu.memory_space<vmem>> -> memref<1x64xi32, #tpu.memory_space<vmem>>
        %dma_wait3A_87 = tpu.memref_squeeze %dma_wait3A_86 : memref<1x64xi32, #tpu.memory_space<vmem>> -> memref<64xi32, #tpu.memory_space<vmem>>
        %dma_wait3A_88 = arith.constant 0 : i32
        %dma_wait3A_89 = arith.constant 0 : i32
        %dma_wait3A_90 = tpu.memref_slice %arg2[%dma_wait3A_88, %dma_wait3A_89] : memref<20480x128xf32, #tpu.memory_space<hbm>> -> memref<20480x128xf32, #tpu.memory_space<hbm>>
        tpu.wait_indirect_dma semaphore(%arg12 : memref<!tpu.dma_semaphore, #tpu.memory_space<semaphore_mem>>) src(%dma_wait3A_90 : memref<20480x128xf32, #tpu.memory_space<hbm>>) dst(%dma_wait3A_84 : memref<64x128xf32, #tpu.memory_space<vmem>>)
        %dma_start3A_91 = arith.constant 0 : i32
        %dma_start3A_92 = tpu.memref_slice %arg8[%mul3A_69, %dma_start3A_91] : memref<32x128xi32, #tpu.memory_space<vmem>> -> memref<1x128xi32, #tpu.memory_space<vmem>>
        %dma_start3A_93 = tpu.memref_squeeze %dma_start3A_92 : memref<1x128xi32, #tpu.memory_space<vmem>> -> memref<128xi32, #tpu.memory_space<vmem>>
        %dma_start3A_94 = arith.constant 0 : i32
        %dma_start3A_95 = arith.constant 0 : i32
        %dma_start3A_96 = tpu.memref_slice %arg17[%dma_start3A_94, %dma_start3A_95] : memref<10240x128xf32, #tpu.memory_space<vmem_shared>> -> memref<10240x128xf32, #tpu.memory_space<vmem_shared>>
        tpu.enqueue_indirect_dma source(%arg9 : memref<128x128xf32, #tpu.memory_space<vmem>>) target(%dma_start3A_96 : memref<10240x128xf32, #tpu.memory_space<vmem_shared>>) offsets(%dma_start3A_93 : memref<128xi32, #tpu.memory_space<vmem>>) semaphore(%arg15 : memref<!tpu.dma_semaphore, #tpu.memory_space<semaphore_mem>>) {add = true}
        %dma_wait3A_97 = arith.constant 0 : i32
        %dma_wait3A_98 = arith.constant 0 : i32
        %dma_wait3A_99 = arith.constant 0 : i32
        %dma_wait3A_100 = tpu.memref_slice %arg10[%dma_wait3A_98, %dma_wait3A_99] : memref<128x128xf32, #tpu.memory_space<vmem>> -> memref<64x128xf32, #tpu.memory_space<vmem>>
        %dma_wait3A_101 = arith.constant 0 : i32
        %dma_wait3A_102 = tpu.memref_slice %arg7[%dma_wait3A_97, %dma_wait3A_101] : memref<32x128xi32, #tpu.memory_space<vmem>> -> memref<1x64xi32, #tpu.memory_space<vmem>>
        %dma_wait3A_103 = tpu.memref_squeeze %dma_wait3A_102 : memref<1x64xi32, #tpu.memory_space<vmem>> -> memref<64xi32, #tpu.memory_space<vmem>>
        %dma_wait3A_104 = arith.constant 0 : i32
        %dma_wait3A_105 = arith.constant 0 : i32
        %dma_wait3A_106 = tpu.memref_slice %arg2[%dma_wait3A_104, %dma_wait3A_105] : memref<20480x128xf32, #tpu.memory_space<hbm>> -> memref<20480x128xf32, #tpu.memory_space<hbm>>
        tpu.wait_indirect_dma semaphore(%arg13 : memref<!tpu.dma_semaphore, #tpu.memory_space<semaphore_mem>>) src(%dma_wait3A_106 : memref<20480x128xf32, #tpu.memory_space<hbm>>) dst(%dma_wait3A_100 : memref<64x128xf32, #tpu.memory_space<vmem>>)
        %dma_wait3A_107 = arith.constant 0 : i32
        %dma_wait3A_108 = arith.constant 64 : i32
        %dma_wait3A_109 = arith.constant 0 : i32
        %dma_wait3A_110 = tpu.memref_slice %arg10[%dma_wait3A_108, %dma_wait3A_109] : memref<128x128xf32, #tpu.memory_space<vmem>> -> memref<64x128xf32, #tpu.memory_space<vmem>>
        %dma_wait3A_111 = arith.constant 64 : i32
        %dma_wait3A_112 = tpu.memref_slice %arg7[%dma_wait3A_107, %dma_wait3A_111] : memref<32x128xi32, #tpu.memory_space<vmem>> -> memref<1x64xi32, #tpu.memory_space<vmem>>
        %dma_wait3A_113 = tpu.memref_squeeze %dma_wait3A_112 : memref<1x64xi32, #tpu.memory_space<vmem>> -> memref<64xi32, #tpu.memory_space<vmem>>
        %dma_wait3A_114 = arith.constant 0 : i32
        %dma_wait3A_115 = arith.constant 0 : i32
        %dma_wait3A_116 = tpu.memref_slice %arg2[%dma_wait3A_114, %dma_wait3A_115] : memref<20480x128xf32, #tpu.memory_space<hbm>> -> memref<20480x128xf32, #tpu.memory_space<hbm>>
        tpu.wait_indirect_dma semaphore(%arg14 : memref<!tpu.dma_semaphore, #tpu.memory_space<semaphore_mem>>) src(%dma_wait3A_116 : memref<20480x128xf32, #tpu.memory_space<hbm>>) dst(%dma_wait3A_110 : memref<64x128xf32, #tpu.memory_space<vmem>>)
        %dma_start3A_117 = arith.constant 0 : i32
        %dma_start3A_118 = tpu.memref_slice %arg8[%add3A_71, %dma_start3A_117] : memref<32x128xi32, #tpu.memory_space<vmem>> -> memref<1x128xi32, #tpu.memory_space<vmem>>
        %dma_start3A_119 = tpu.memref_squeeze %dma_start3A_118 : memref<1x128xi32, #tpu.memory_space<vmem>> -> memref<128xi32, #tpu.memory_space<vmem>>
        %dma_start3A_120 = arith.constant 0 : i32
        %dma_start3A_121 = arith.constant 0 : i32
        %dma_start3A_122 = tpu.memref_slice %arg17[%dma_start3A_120, %dma_start3A_121] : memref<10240x128xf32, #tpu.memory_space<vmem_shared>> -> memref<10240x128xf32, #tpu.memory_space<vmem_shared>>
        tpu.enqueue_indirect_dma source(%arg10 : memref<128x128xf32, #tpu.memory_space<vmem>>) target(%dma_start3A_122 : memref<10240x128xf32, #tpu.memory_space<vmem_shared>>) offsets(%dma_start3A_119 : memref<128xi32, #tpu.memory_space<vmem>>) semaphore(%arg16 : memref<!tpu.dma_semaphore, #tpu.memory_space<semaphore_mem>>) {add = true}
        %add3A_123 = arith.constant 1 : i32
        %add3A_124 = arith.addi %scan3A_67, %add3A_123 : i32
        %lt3A = arith.constant 16 : i32
        %lt3A_125 = arith.cmpi slt, %add3A_124, %lt3A : i32
        %convert_element_type3A = arith.extui %lt3A_125 : i1 to i32
        %cond3A = arith.constant 0 : i32
        %cond3A_126 = arith.cmpi ne, %convert_element_type3A, %cond3A : i32
        scf.if %cond3A_126 {
          %dma_wait3A_133 = arith.constant 0 : i32
          %dma_wait3A_134 = tpu.memref_slice %arg8[%mul3A_69, %dma_wait3A_133] : memref<32x128xi32, #tpu.memory_space<vmem>> -> memref<1x128xi32, #tpu.memory_space<vmem>>
          %dma_wait3A_135 = tpu.memref_squeeze %dma_wait3A_134 : memref<1x128xi32, #tpu.memory_space<vmem>> -> memref<128xi32, #tpu.memory_space<vmem>>
          %dma_wait3A_136 = arith.constant 0 : i32
          %dma_wait3A_137 = arith.constant 0 : i32
          %dma_wait3A_138 = tpu.memref_slice %arg17[%dma_wait3A_136, %dma_wait3A_137] : memref<10240x128xf32, #tpu.memory_space<vmem_shared>> -> memref<10240x128xf32, #tpu.memory_space<vmem_shared>>
          tpu.wait_indirect_dma semaphore(%arg15 : memref<!tpu.dma_semaphore, #tpu.memory_space<semaphore_mem>>) src(%arg9 : memref<128x128xf32, #tpu.memory_space<vmem>>) dst(%dma_wait3A_138 : memref<10240x128xf32, #tpu.memory_space<vmem_shared>>)
          %add3A_139 = arith.constant 2 : i32
          %add3A_140 = arith.addi %mul3A_69, %add3A_139 : i32
          %dma_start3A_141 = arith.constant 0 : i32
          %dma_start3A_142 = arith.constant 0 : i32
          %dma_start3A_143 = tpu.memref_slice %arg9[%dma_start3A_141, %dma_start3A_142] : memref<128x128xf32, #tpu.memory_space<vmem>> -> memref<64x128xf32, #tpu.memory_space<vmem>>
          %dma_start3A_144 = arith.constant 0 : i32
          %dma_start3A_145 = tpu.memref_slice %arg7[%add3A_140, %dma_start3A_144] : memref<32x128xi32, #tpu.memory_space<vmem>> -> memref<1x64xi32, #tpu.memory_space<vmem>>
          %dma_start3A_146 = tpu.memref_squeeze %dma_start3A_145 : memref<1x64xi32, #tpu.memory_space<vmem>> -> memref<64xi32, #tpu.memory_space<vmem>>
          %dma_start3A_147 = arith.constant 0 : i32
          %dma_start3A_148 = arith.constant 0 : i32
          %dma_start3A_149 = tpu.memref_slice %arg2[%dma_start3A_147, %dma_start3A_148] : memref<20480x128xf32, #tpu.memory_space<hbm>> -> memref<20480x128xf32, #tpu.memory_space<hbm>>
          tpu.enqueue_indirect_dma source(%dma_start3A_149 : memref<20480x128xf32, #tpu.memory_space<hbm>>) target(%dma_start3A_143 : memref<64x128xf32, #tpu.memory_space<vmem>>) offsets(%dma_start3A_146 : memref<64xi32, #tpu.memory_space<vmem>>) semaphore(%arg11 : memref<!tpu.dma_semaphore, #tpu.memory_space<semaphore_mem>>)
          %dma_start3A_150 = arith.constant 64 : i32
          %dma_start3A_151 = arith.constant 0 : i32
          %dma_start3A_152 = tpu.memref_slice %arg9[%dma_start3A_150, %dma_start3A_151] : memref<128x128xf32, #tpu.memory_space<vmem>> -> memref<64x128xf32, #tpu.memory_space<vmem>>
          %dma_start3A_153 = arith.constant 64 : i32
          %dma_start3A_154 = tpu.memref_slice %arg7[%add3A_140, %dma_start3A_153] : memref<32x128xi32, #tpu.memory_space<vmem>> -> memref<1x64xi32, #tpu.memory_space<vmem>>
          %dma_start3A_155 = tpu.memref_squeeze %dma_start3A_154 : memref<1x64xi32, #tpu.memory_space<vmem>> -> memref<64xi32, #tpu.memory_space<vmem>>
          %dma_start3A_156 = arith.constant 0 : i32
          %dma_start3A_157 = arith.constant 0 : i32
          %dma_start3A_158 = tpu.memref_slice %arg2[%dma_start3A_156, %dma_start3A_157] : memref<20480x128xf32, #tpu.memory_space<hbm>> -> memref<20480x128xf32, #tpu.memory_space<hbm>>
          tpu.enqueue_indirect_dma source(%dma_start3A_158 : memref<20480x128xf32, #tpu.memory_space<hbm>>) target(%dma_start3A_152 : memref<64x128xf32, #tpu.memory_space<vmem>>) offsets(%dma_start3A_155 : memref<64xi32, #tpu.memory_space<vmem>>) semaphore(%arg12 : memref<!tpu.dma_semaphore, #tpu.memory_space<semaphore_mem>>)
          %dma_wait3A_159 = arith.constant 0 : i32
          %dma_wait3A_160 = tpu.memref_slice %arg8[%add3A_71, %dma_wait3A_159] : memref<32x128xi32, #tpu.memory_space<vmem>> -> memref<1x128xi32, #tpu.memory_space<vmem>>
          %dma_wait3A_161 = tpu.memref_squeeze %dma_wait3A_160 : memref<1x128xi32, #tpu.memory_space<vmem>> -> memref<128xi32, #tpu.memory_space<vmem>>
          %dma_wait3A_162 = arith.constant 0 : i32
          %dma_wait3A_163 = arith.constant 0 : i32
          %dma_wait3A_164 = tpu.memref_slice %arg17[%dma_wait3A_162, %dma_wait3A_163] : memref<10240x128xf32, #tpu.memory_space<vmem_shared>> -> memref<10240x128xf32, #tpu.memory_space<vmem_shared>>
          tpu.wait_indirect_dma semaphore(%arg16 : memref<!tpu.dma_semaphore, #tpu.memory_space<semaphore_mem>>) src(%arg10 : memref<128x128xf32, #tpu.memory_space<vmem>>) dst(%dma_wait3A_164 : memref<10240x128xf32, #tpu.memory_space<vmem_shared>>)
          %add3A_165 = arith.constant 2 : i32
          %add3A_166 = arith.addi %add3A_71, %add3A_165 : i32
          %dma_start3A_167 = arith.constant 0 : i32
          %dma_start3A_168 = arith.constant 0 : i32
          %dma_start3A_169 = tpu.memref_slice %arg10[%dma_start3A_167, %dma_start3A_168] : memref<128x128xf32, #tpu.memory_space<vmem>> -> memref<64x128xf32, #tpu.memory_space<vmem>>
          %dma_start3A_170 = arith.constant 0 : i32
          %dma_start3A_171 = tpu.memref_slice %arg7[%add3A_166, %dma_start3A_170] : memref<32x128xi32, #tpu.memory_space<vmem>> -> memref<1x64xi32, #tpu.memory_space<vmem>>
          %dma_start3A_172 = tpu.memref_squeeze %dma_start3A_171 : memref<1x64xi32, #tpu.memory_space<vmem>> -> memref<64xi32, #tpu.memory_space<vmem>>
          %dma_start3A_173 = arith.constant 0 : i32
          %dma_start3A_174 = arith.constant 0 : i32
          %dma_start3A_175 = tpu.memref_slice %arg2[%dma_start3A_173, %dma_start3A_174] : memref<20480x128xf32, #tpu.memory_space<hbm>> -> memref<20480x128xf32, #tpu.memory_space<hbm>>
          tpu.enqueue_indirect_dma source(%dma_start3A_175 : memref<20480x128xf32, #tpu.memory_space<hbm>>) target(%dma_start3A_169 : memref<64x128xf32, #tpu.memory_space<vmem>>) offsets(%dma_start3A_172 : memref<64xi32, #tpu.memory_space<vmem>>) semaphore(%arg13 : memref<!tpu.dma_semaphore, #tpu.memory_space<semaphore_mem>>)
          %dma_start3A_176 = arith.constant 64 : i32
          %dma_start3A_177 = arith.constant 0 : i32
          %dma_start3A_178 = tpu.memref_slice %arg10[%dma_start3A_176, %dma_start3A_177] : memref<128x128xf32, #tpu.memory_space<vmem>> -> memref<64x128xf32, #tpu.memory_space<vmem>>
          %dma_start3A_179 = arith.constant 64 : i32
          %dma_start3A_180 = tpu.memref_slice %arg7[%add3A_166, %dma_start3A_179] : memref<32x128xi32, #tpu.memory_space<vmem>> -> memref<1x64xi32, #tpu.memory_space<vmem>>
          %dma_start3A_181 = tpu.memref_squeeze %dma_start3A_180 : memref<1x64xi32, #tpu.memory_space<vmem>> -> memref<64xi32, #tpu.memory_space<vmem>>
          %dma_start3A_182 = arith.constant 0 : i32
          %dma_start3A_183 = arith.constant 0 : i32
          %dma_start3A_184 = tpu.memref_slice %arg2[%dma_start3A_182, %dma_start3A_183] : memref<20480x128xf32, #tpu.memory_space<hbm>> -> memref<20480x128xf32, #tpu.memory_space<hbm>>
          tpu.enqueue_indirect_dma source(%dma_start3A_184 : memref<20480x128xf32, #tpu.memory_space<hbm>>) target(%dma_start3A_178 : memref<64x128xf32, #tpu.memory_space<vmem>>) offsets(%dma_start3A_181 : memref<64xi32, #tpu.memory_space<vmem>>) semaphore(%arg14 : memref<!tpu.dma_semaphore, #tpu.memory_space<semaphore_mem>>)
        } else {
        }
        %add3A_127 = arith.constant 1 : i32
        %add3A_128 = arith.addi %scan3A_67, %add3A_127 : i32
        %ge3A = arith.constant 16 : i32
        %ge3A_129 = arith.cmpi sge, %add3A_128, %ge3A : i32
        %convert_element_type3A_130 = arith.extui %ge3A_129 : i1 to i32
        %cond3A_131 = arith.constant 0 : i32
        %cond3A_132 = arith.cmpi ne, %convert_element_type3A_130, %cond3A_131 : i32
        scf.if %cond3A_132 {
          %dma_wait3A_133 = arith.constant 0 : i32
          %dma_wait3A_134 = tpu.memref_slice %arg8[%mul3A_69, %dma_wait3A_133] : memref<32x128xi32, #tpu.memory_space<vmem>> -> memref<1x128xi32, #tpu.memory_space<vmem>>
          %dma_wait3A_135 = tpu.memref_squeeze %dma_wait3A_134 : memref<1x128xi32, #tpu.memory_space<vmem>> -> memref<128xi32, #tpu.memory_space<vmem>>
          %dma_wait3A_136 = arith.constant 0 : i32
          %dma_wait3A_137 = arith.constant 0 : i32
          %dma_wait3A_138 = tpu.memref_slice %arg17[%dma_wait3A_136, %dma_wait3A_137] : memref<10240x128xf32, #tpu.memory_space<vmem_shared>> -> memref<10240x128xf32, #tpu.memory_space<vmem_shared>>
          tpu.wait_indirect_dma semaphore(%arg15 : memref<!tpu.dma_semaphore, #tpu.memory_space<semaphore_mem>>) src(%arg9 : memref<128x128xf32, #tpu.memory_space<vmem>>) dst(%dma_wait3A_138 : memref<10240x128xf32, #tpu.memory_space<vmem_shared>>)
          %dma_wait3A_139 = arith.constant 0 : i32
          %dma_wait3A_140 = tpu.memref_slice %arg8[%add3A_71, %dma_wait3A_139] : memref<32x128xi32, #tpu.memory_space<vmem>> -> memref<1x128xi32, #tpu.memory_space<vmem>>
          %dma_wait3A_141 = tpu.memref_squeeze %dma_wait3A_140 : memref<1x128xi32, #tpu.memory_space<vmem>> -> memref<128xi32, #tpu.memory_space<vmem>>
          %dma_wait3A_142 = arith.constant 0 : i32
          %dma_wait3A_143 = arith.constant 0 : i32
          %dma_wait3A_144 = tpu.memref_slice %arg17[%dma_wait3A_142, %dma_wait3A_143] : memref<10240x128xf32, #tpu.memory_space<vmem_shared>> -> memref<10240x128xf32, #tpu.memory_space<vmem_shared>>
          tpu.wait_indirect_dma semaphore(%arg16 : memref<!tpu.dma_semaphore, #tpu.memory_space<semaphore_mem>>) src(%arg10 : memref<128x128xf32, #tpu.memory_space<vmem>>) dst(%dma_wait3A_144 : memref<10240x128xf32, #tpu.memory_space<vmem_shared>>)
        } else {
        }
      }
      %scan3A_66 = arith.constant 16 : i32
    }
    %scan3A_7 = arith.constant 5 : i32
    %barrier3A_8 = arith.constant 0 : index
    tpu.barrier barrier_id(%barrier3A_8)
    %mul3A_9 = arith.constant 640 : i32
    %mul3A_10 = arith.muli %arg1, %mul3A_9 : i32
    %mul3A_11 = arith.constant 10240 : i32
    %mul3A_12 = arith.muli %arg0, %mul3A_11 : i32
    %mul3A_13 = arith.constant 640 : i32
    %mul3A_14 = arith.muli %arg1, %mul3A_13 : i32
    %add3A_15 = arith.addi %mul3A_12, %mul3A_14 : i32
    "tpu.region"() ({
      %run_scoped3A = tpu.sem_alloc : memref<!tpu.dma_semaphore, #tpu.memory_space<semaphore_mem>>
      %dma_start3A = arith.constant 0 : i32
      %dma_start3A_16 = tpu.memref_slice %arg6[%add3A_15, %dma_start3A] : memref<20480x128xf32, #tpu.memory_space<hbm>> -> memref<640x128xf32, #tpu.memory_space<hbm>>
      %dma_start3A_17 = arith.constant 0 : i32
      %dma_start3A_18 = tpu.memref_slice %arg17[%mul3A_10, %dma_start3A_17] : memref<10240x128xf32, #tpu.memory_space<vmem_shared>> -> memref<640x128xf32, #tpu.memory_space<vmem_shared>>
      tpu.enqueue_dma source(%dma_start3A_18 : memref<640x128xf32, #tpu.memory_space<vmem_shared>>) target(%dma_start3A_16 : memref<640x128xf32, #tpu.memory_space<hbm>>) target_semaphore(%run_scoped3A : memref<!tpu.dma_semaphore, #tpu.memory_space<semaphore_mem>>)
      %dma_wait3A = arith.constant 0 : i32
      %dma_wait3A_19 = tpu.memref_slice %arg6[%add3A_15, %dma_wait3A] : memref<20480x128xf32, #tpu.memory_space<hbm>> -> memref<640x128xf32, #tpu.memory_space<hbm>>
      %dma_wait3A_20 = arith.constant 0 : i32
      %dma_wait3A_21 = tpu.memref_slice %arg17[%mul3A_10, %dma_wait3A_20] : memref<10240x128xf32, #tpu.memory_space<vmem_shared>> -> memref<640x128xf32, #tpu.memory_space<vmem_shared>>
      tpu.wait_dma2 semaphore(%run_scoped3A : memref<!tpu.dma_semaphore, #tpu.memory_space<semaphore_mem>>) src(%dma_wait3A_21 : memref<640x128xf32, #tpu.memory_space<vmem_shared>>) dst(%dma_wait3A_19 : memref<640x128xf32, #tpu.memory_space<hbm>>)
      tpu.yield
    }) : () -> ()
    return
  }
}

#map = affine_map<(d0, d1) -> (0, 0)>
#map1 = affine_map<(d0, d1) -> (0)>
module attributes {stable_mosaic.version = 14 : i64} {
  func.func @_sc_degree(%arg0: i32, %arg1: i32, %arg2: memref<5120x128xi32, #tpu.memory_space<hbm>>, %arg3: memref<10240xf32, #tpu.memory_space<hbm>>, %arg4: memref<327680xf32, #tpu.memory_space<hbm>>, %arg5: memref<160x128xi32, #tpu.memory_space<vmem>>, %arg6: memref<10240xf32, #tpu.memory_space<vmem>>) attributes {dimension_semantics = [#tpu.dimension_semantics<core_parallel>, #tpu.dimension_semantics<subcore_parallel>], iteration_bounds = array<i64: 2, 16>, scalar_prefetch = 0 : i64, scratch_operands = 2 : i64, tpu.core_type = #tpu.core_type<sc_vector_subcore>, window_params = [{transform_indices = #map}, {transform_indices = #map1}, {transform_indices = #map1}]} {
    %mul3A = arith.constant 16 : i32
    %mul3A_0 = arith.muli %arg0, %mul3A : i32
    %add3A = arith.addi %mul3A_0, %arg1 : i32
    "tpu.region"() ({
      %run_scoped3A = tpu.sem_alloc : memref<!tpu.dma_semaphore, #tpu.memory_space<semaphore_mem>>
      tpu.enqueue_dma source(%arg3 : memref<10240xf32, #tpu.memory_space<hbm>>) target(%arg6 : memref<10240xf32, #tpu.memory_space<vmem>>) target_semaphore(%run_scoped3A : memref<!tpu.dma_semaphore, #tpu.memory_space<semaphore_mem>>)
      tpu.wait_dma2 semaphore(%run_scoped3A : memref<!tpu.dma_semaphore, #tpu.memory_space<semaphore_mem>>) src(%arg3 : memref<10240xf32, #tpu.memory_space<hbm>>) dst(%arg6 : memref<10240xf32, #tpu.memory_space<vmem>>)
      tpu.yield
    }) : () -> ()
    %mul3A_1 = arith.constant 160 : i32
    %mul3A_2 = arith.muli %add3A, %mul3A_1 : i32
    "tpu.region"() ({
      %run_scoped3A = tpu.sem_alloc : memref<!tpu.dma_semaphore, #tpu.memory_space<semaphore_mem>>
      %dma_start3A = arith.constant 0 : i32
      %dma_start3A_11 = tpu.memref_slice %arg2[%mul3A_2, %dma_start3A] : memref<5120x128xi32, #tpu.memory_space<hbm>> -> memref<160x128xi32, #tpu.memory_space<hbm>>
      %dma_start3A_12 = arith.constant 0 : i32
      %dma_start3A_13 = tpu.memref_slice %arg2[%mul3A_2, %dma_start3A_12] : memref<5120x128xi32, #tpu.memory_space<hbm>> -> memref<160x128xi32, #tpu.memory_space<hbm>>
      tpu.enqueue_dma source(%dma_start3A_13 : memref<160x128xi32, #tpu.memory_space<hbm>>) target(%arg5 : memref<160x128xi32, #tpu.memory_space<vmem>>) target_semaphore(%run_scoped3A : memref<!tpu.dma_semaphore, #tpu.memory_space<semaphore_mem>>)
      %dma_wait3A = arith.constant 0 : i32
      %dma_wait3A_14 = tpu.memref_slice %arg2[%mul3A_2, %dma_wait3A] : memref<5120x128xi32, #tpu.memory_space<hbm>> -> memref<160x128xi32, #tpu.memory_space<hbm>>
      %dma_wait3A_15 = arith.constant 0 : i32
      %dma_wait3A_16 = tpu.memref_slice %arg2[%mul3A_2, %dma_wait3A_15] : memref<5120x128xi32, #tpu.memory_space<hbm>> -> memref<160x128xi32, #tpu.memory_space<hbm>>
      tpu.wait_dma2 semaphore(%run_scoped3A : memref<!tpu.dma_semaphore, #tpu.memory_space<semaphore_mem>>) src(%dma_wait3A_16 : memref<160x128xi32, #tpu.memory_space<hbm>>) dst(%arg5 : memref<160x128xi32, #tpu.memory_space<vmem>>)
      tpu.yield
    }) : () -> ()
    %broadcast_in_dim3A = arith.constant 1.000000e+00 : f32
    %broadcast_in_dim3A_3 = vector.broadcast %broadcast_in_dim3A : f32 to vector<16xf32>
    %scan3A = arith.constant 0 : i32
    %scan3A_4 = arith.constant 0 : i32
    %scan3A_5 = arith.constant 1280 : i32
    %scan3A_6 = arith.addi %scan3A_4, %scan3A_5 : i32
    %scan3A_7 = arith.constant 1 : i32
    scf.for %scan3A_11 = %scan3A_4 to %scan3A_6 step %scan3A_7  : i32 {
      %shift_right_arithmetic3A = arith.constant 3 : i32
      %shift_right_arithmetic3A_12 = arith.shrsi %scan3A_11, %shift_right_arithmetic3A : i32
      %and3A = arith.constant 7 : i32
      %and3A_13 = arith.andi %scan3A_11, %and3A : i32
      %mul3A_14 = arith.constant 16 : i32
      %mul3A_15 = arith.muli %and3A_13, %mul3A_14 : i32
      %get3A = arith.index_cast %shift_right_arithmetic3A_12 : i32 to index
      %get3A_16 = arith.index_cast %mul3A_15 : i32 to index
      %get3A_17 = tpu.vector_load %arg5[%get3A, %get3A_16] {strides = array<i32>} : memref<160x128xi32, #tpu.memory_space<vmem>>, vector<16xi32>,
      tpu.vector_store_idx %arg6[%get3A_17], %broadcast_in_dim3A_3 {add = true} : memref<10240xf32, #tpu.memory_space<vmem>>[vector<16xi32>], vector<16xf32>,
    }
    %scan3A_8 = arith.constant 1280 : i32
    %mul3A_9 = arith.constant 10240 : i32
    %mul3A_10 = arith.muli %add3A, %mul3A_9 : i32
    "tpu.region"() ({
      %run_scoped3A = tpu.sem_alloc : memref<!tpu.dma_semaphore, #tpu.memory_space<semaphore_mem>>
      %dma_start3A = tpu.memref_slice %arg4[%mul3A_10] : memref<327680xf32, #tpu.memory_space<hbm>> -> memref<10240xf32, #tpu.memory_space<hbm>>
      %dma_start3A_11 = tpu.memref_slice %arg4[%mul3A_10] : memref<327680xf32, #tpu.memory_space<hbm>> -> memref<10240xf32, #tpu.memory_space<hbm>>
      tpu.enqueue_dma source(%arg6 : memref<10240xf32, #tpu.memory_space<vmem>>) target(%dma_start3A_11 : memref<10240xf32, #tpu.memory_space<hbm>>) target_semaphore(%run_scoped3A : memref<!tpu.dma_semaphore, #tpu.memory_space<semaphore_mem>>)
      %dma_wait3A = tpu.memref_slice %arg4[%mul3A_10] : memref<327680xf32, #tpu.memory_space<hbm>> -> memref<10240xf32, #tpu.memory_space<hbm>>
      %dma_wait3A_12 = tpu.memref_slice %arg4[%mul3A_10] : memref<327680xf32, #tpu.memory_space<hbm>> -> memref<10240xf32, #tpu.memory_space<hbm>>
      tpu.wait_dma2 semaphore(%run_scoped3A : memref<!tpu.dma_semaphore, #tpu.memory_space<semaphore_mem>>) src(%arg6 : memref<10240xf32, #tpu.memory_space<vmem>>) dst(%dma_wait3A_12 : memref<10240xf32, #tpu.memory_space<hbm>>)
      tpu.yield
    }) : () -> ()
    return
  }
}

#map = affine_map<(d0, d1) -> (0, 0)>
module attributes {stable_mosaic.version = 14 : i64} {
  func.func @_sc_conv(%arg0: i32, %arg1: i32, %arg2: memref<20480x128xf32, #tpu.memory_space<hbm>>, %arg3: memref<5120x128xi32, #tpu.memory_space<hbm>>, %arg4: memref<5120x128xi32, #tpu.memory_space<hbm>>, %arg5: memref<640x128xf32, #tpu.memory_space<hbm>>, %arg6: memref<20480x128xf32, #tpu.memory_space<hbm>>, %arg7: memref<32x128xi32, #tpu.memory_space<vmem>>, %arg8: memref<32x128xi32, #tpu.memory_space<vmem>>, %arg9: memref<128x128xf32, #tpu.memory_space<vmem>>, %arg10: memref<128x128xf32, #tpu.memory_space<vmem>>, %arg11: memref<!tpu.dma_semaphore, #tpu.memory_space<semaphore_mem>>, %arg12: memref<!tpu.dma_semaphore, #tpu.memory_space<semaphore_mem>>, %arg13: memref<!tpu.dma_semaphore, #tpu.memory_space<semaphore_mem>>, %arg14: memref<!tpu.dma_semaphore, #tpu.memory_space<semaphore_mem>>, %arg15: memref<!tpu.dma_semaphore, #tpu.memory_space<semaphore_mem>>, %arg16: memref<!tpu.dma_semaphore, #tpu.memory_space<semaphore_mem>>, %arg17: memref<10240x128xf32, #tpu.memory_space<vmem_shared>>) attributes {dimension_semantics = [#tpu.dimension_semantics<core_parallel>, #tpu.dimension_semantics<subcore_parallel>], iteration_bounds = array<i64: 2, 16>, scalar_prefetch = 0 : i64, scratch_operands = 11 : i64, tpu.core_type = #tpu.core_type<sc_vector_subcore>, window_params = [{transform_indices = #map}, {transform_indices = #map}, {transform_indices = #map}, {transform_indices = #map}, {transform_indices = #map}]} {
    %mul3A = arith.constant 16 : i32
    %mul3A_0 = arith.muli %arg0, %mul3A : i32
    %add3A = arith.addi %mul3A_0, %arg1 : i32
    %mul3A_1 = arith.constant 640 : i32
    %mul3A_2 = arith.muli %arg1, %mul3A_1 : i32
    "tpu.region"() ({
      %run_scoped3A = tpu.sem_alloc : memref<!tpu.dma_semaphore, #tpu.memory_space<semaphore_mem>>
      %dma_start3A = arith.constant 0 : i32
      %dma_start3A_16 = tpu.memref_slice %arg17[%mul3A_2, %dma_start3A] : memref<10240x128xf32, #tpu.memory_space<vmem_shared>> -> memref<640x128xf32, #tpu.memory_space<vmem_shared>>
      tpu.enqueue_dma source(%arg5 : memref<640x128xf32, #tpu.memory_space<hbm>>) target(%dma_start3A_16 : memref<640x128xf32, #tpu.memory_space<vmem_shared>>) target_semaphore(%run_scoped3A : memref<!tpu.dma_semaphore, #tpu.memory_space<semaphore_mem>>)
      %dma_wait3A = arith.constant 0 : i32
      %dma_wait3A_17 = tpu.memref_slice %arg17[%mul3A_2, %dma_wait3A] : memref<10240x128xf32, #tpu.memory_space<vmem_shared>> -> memref<640x128xf32, #tpu.memory_space<vmem_shared>>
      tpu.wait_dma2 semaphore(%run_scoped3A : memref<!tpu.dma_semaphore, #tpu.memory_space<semaphore_mem>>) src(%arg5 : memref<640x128xf32, #tpu.memory_space<hbm>>) dst(%dma_wait3A_17 : memref<640x128xf32, #tpu.memory_space<vmem_shared>>)
      tpu.yield
    }) : () -> ()
    %barrier3A = arith.constant 0 : index
    tpu.barrier barrier_id(%barrier3A)
    %scan3A = arith.constant 0 : i32
    %scan3A_3 = arith.constant 0 : i32
    %scan3A_4 = arith.constant 5 : i32
    %scan3A_5 = arith.addi %scan3A_3, %scan3A_4 : i32
    %scan3A_6 = arith.constant 1 : i32
    scf.for %scan3A_16 = %scan3A_3 to %scan3A_5 step %scan3A_6  : i32 {
      %mul3A_17 = arith.constant 160 : i32
      %mul3A_18 = arith.muli %add3A, %mul3A_17 : i32
      %mul3A_19 = arith.constant 32 : i32
      %mul3A_20 = arith.muli %scan3A_16, %mul3A_19 : i32
      %add3A_21 = arith.addi %mul3A_18, %mul3A_20 : i32
      "tpu.region"() ({
        %run_scoped3A = tpu.sem_alloc : memref<!tpu.dma_semaphore, #tpu.memory_space<semaphore_mem>>
        %dma_start3A_67 = arith.constant 0 : i32
        %dma_start3A_68 = tpu.memref_slice %arg3[%add3A_21, %dma_start3A_67] : memref<5120x128xi32, #tpu.memory_space<hbm>> -> memref<32x128xi32, #tpu.memory_space<hbm>>
        %dma_start3A_69 = arith.constant 0 : i32
        %dma_start3A_70 = tpu.memref_slice %arg3[%add3A_21, %dma_start3A_69] : memref<5120x128xi32, #tpu.memory_space<hbm>> -> memref<32x128xi32, #tpu.memory_space<hbm>>
        tpu.enqueue_dma source(%dma_start3A_70 : memref<32x128xi32, #tpu.memory_space<hbm>>) target(%arg7 : memref<32x128xi32, #tpu.memory_space<vmem>>) target_semaphore(%run_scoped3A : memref<!tpu.dma_semaphore, #tpu.memory_space<semaphore_mem>>)
        %dma_wait3A = arith.constant 0 : i32
        %dma_wait3A_71 = tpu.memref_slice %arg3[%add3A_21, %dma_wait3A] : memref<5120x128xi32, #tpu.memory_space<hbm>> -> memref<32x128xi32, #tpu.memory_space<hbm>>
        %dma_wait3A_72 = arith.constant 0 : i32
        %dma_wait3A_73 = tpu.memref_slice %arg3[%add3A_21, %dma_wait3A_72] : memref<5120x128xi32, #tpu.memory_space<hbm>> -> memref<32x128xi32, #tpu.memory_space<hbm>>
        tpu.wait_dma2 semaphore(%run_scoped3A : memref<!tpu.dma_semaphore, #tpu.memory_space<semaphore_mem>>) src(%dma_wait3A_73 : memref<32x128xi32, #tpu.memory_space<hbm>>) dst(%arg7 : memref<32x128xi32, #tpu.memory_space<vmem>>)
        tpu.yield
      }) : () -> ()
      "tpu.region"() ({
        %run_scoped3A = tpu.sem_alloc : memref<!tpu.dma_semaphore, #tpu.memory_space<semaphore_mem>>
        %dma_start3A_67 = arith.constant 0 : i32
        %dma_start3A_68 = tpu.memref_slice %arg4[%add3A_21, %dma_start3A_67] : memref<5120x128xi32, #tpu.memory_space<hbm>> -> memref<32x128xi32, #tpu.memory_space<hbm>>
        %dma_start3A_69 = arith.constant 0 : i32
        %dma_start3A_70 = tpu.memref_slice %arg4[%add3A_21, %dma_start3A_69] : memref<5120x128xi32, #tpu.memory_space<hbm>> -> memref<32x128xi32, #tpu.memory_space<hbm>>
        tpu.enqueue_dma source(%dma_start3A_70 : memref<32x128xi32, #tpu.memory_space<hbm>>) target(%arg8 : memref<32x128xi32, #tpu.memory_space<vmem>>) target_semaphore(%run_scoped3A : memref<!tpu.dma_semaphore, #tpu.memory_space<semaphore_mem>>)
        %dma_wait3A = arith.constant 0 : i32
        %dma_wait3A_71 = tpu.memref_slice %arg4[%add3A_21, %dma_wait3A] : memref<5120x128xi32, #tpu.memory_space<hbm>> -> memref<32x128xi32, #tpu.memory_space<hbm>>
        %dma_wait3A_72 = arith.constant 0 : i32
        %dma_wait3A_73 = tpu.memref_slice %arg4[%add3A_21, %dma_wait3A_72] : memref<5120x128xi32, #tpu.memory_space<hbm>> -> memref<32x128xi32, #tpu.memory_space<hbm>>
        tpu.wait_dma2 semaphore(%run_scoped3A : memref<!tpu.dma_semaphore, #tpu.memory_space<semaphore_mem>>) src(%dma_wait3A_73 : memref<32x128xi32, #tpu.memory_space<hbm>>) dst(%arg8 : memref<32x128xi32, #tpu.memory_space<vmem>>)
        tpu.yield
      }) : () -> ()
      %dma_start3A = arith.constant 0 : i32
      %dma_start3A_22 = arith.constant 0 : i32
      %dma_start3A_23 = arith.constant 0 : i32
      %dma_start3A_24 = tpu.memref_slice %arg9[%dma_start3A_22, %dma_start3A_23] : memref<128x128xf32, #tpu.memory_space<vmem>> -> memref<64x128xf32, #tpu.memory_space<vmem>>
      %dma_start3A_25 = arith.constant 0 : i32
      %dma_start3A_26 = tpu.memref_slice %arg7[%dma_start3A, %dma_start3A_25] : memref<32x128xi32, #tpu.memory_space<vmem>> -> memref<1x64xi32, #tpu.memory_space<vmem>>
      %dma_start3A_27 = tpu.memref_squeeze %dma_start3A_26 : memref<1x64xi32, #tpu.memory_space<vmem>> -> memref<64xi32, #tpu.memory_space<vmem>>
      %dma_start3A_28 = arith.constant 0 : i32
      %dma_start3A_29 = arith.constant 0 : i32
      %dma_start3A_30 = tpu.memref_slice %arg2[%dma_start3A_28, %dma_start3A_29] : memref<20480x128xf32, #tpu.memory_space<hbm>> -> memref<20480x128xf32, #tpu.memory_space<hbm>>
      tpu.enqueue_indirect_dma source(%dma_start3A_30 : memref<20480x128xf32, #tpu.memory_space<hbm>>) target(%dma_start3A_24 : memref<64x128xf32, #tpu.memory_space<vmem>>) offsets(%dma_start3A_27 : memref<64xi32, #tpu.memory_space<vmem>>) semaphore(%arg11 : memref<!tpu.dma_semaphore, #tpu.memory_space<semaphore_mem>>)
      %dma_start3A_31 = arith.constant 0 : i32
      %dma_start3A_32 = arith.constant 64 : i32
      %dma_start3A_33 = arith.constant 0 : i32
      %dma_start3A_34 = tpu.memref_slice %arg9[%dma_start3A_32, %dma_start3A_33] : memref<128x128xf32, #tpu.memory_space<vmem>> -> memref<64x128xf32, #tpu.memory_space<vmem>>
      %dma_start3A_35 = arith.constant 64 : i32
      %dma_start3A_36 = tpu.memref_slice %arg7[%dma_start3A_31, %dma_start3A_35] : memref<32x128xi32, #tpu.memory_space<vmem>> -> memref<1x64xi32, #tpu.memory_space<vmem>>
      %dma_start3A_37 = tpu.memref_squeeze %dma_start3A_36 : memref<1x64xi32, #tpu.memory_space<vmem>> -> memref<64xi32, #tpu.memory_space<vmem>>
      %dma_start3A_38 = arith.constant 0 : i32
      %dma_start3A_39 = arith.constant 0 : i32
      %dma_start3A_40 = tpu.memref_slice %arg2[%dma_start3A_38, %dma_start3A_39] : memref<20480x128xf32, #tpu.memory_space<hbm>> -> memref<20480x128xf32, #tpu.memory_space<hbm>>
      tpu.enqueue_indirect_dma source(%dma_start3A_40 : memref<20480x128xf32, #tpu.memory_space<hbm>>) target(%dma_start3A_34 : memref<64x128xf32, #tpu.memory_space<vmem>>) offsets(%dma_start3A_37 : memref<64xi32, #tpu.memory_space<vmem>>) semaphore(%arg12 : memref<!tpu.dma_semaphore, #tpu.memory_space<semaphore_mem>>)
      %dma_start3A_41 = arith.constant 1 : i32
      %dma_start3A_42 = arith.constant 0 : i32
      %dma_start3A_43 = arith.constant 0 : i32
      %dma_start3A_44 = tpu.memref_slice %arg10[%dma_start3A_42, %dma_start3A_43] : memref<128x128xf32, #tpu.memory_space<vmem>> -> memref<64x128xf32, #tpu.memory_space<vmem>>
      %dma_start3A_45 = arith.constant 0 : i32
      %dma_start3A_46 = tpu.memref_slice %arg7[%dma_start3A_41, %dma_start3A_45] : memref<32x128xi32, #tpu.memory_space<vmem>> -> memref<1x64xi32, #tpu.memory_space<vmem>>
      %dma_start3A_47 = tpu.memref_squeeze %dma_start3A_46 : memref<1x64xi32, #tpu.memory_space<vmem>> -> memref<64xi32, #tpu.memory_space<vmem>>
      %dma_start3A_48 = arith.constant 0 : i32
      %dma_start3A_49 = arith.constant 0 : i32
      %dma_start3A_50 = tpu.memref_slice %arg2[%dma_start3A_48, %dma_start3A_49] : memref<20480x128xf32, #tpu.memory_space<hbm>> -> memref<20480x128xf32, #tpu.memory_space<hbm>>
      tpu.enqueue_indirect_dma source(%dma_start3A_50 : memref<20480x128xf32, #tpu.memory_space<hbm>>) target(%dma_start3A_44 : memref<64x128xf32, #tpu.memory_space<vmem>>) offsets(%dma_start3A_47 : memref<64xi32, #tpu.memory_space<vmem>>) semaphore(%arg13 : memref<!tpu.dma_semaphore, #tpu.memory_space<semaphore_mem>>)
      %dma_start3A_51 = arith.constant 1 : i32
      %dma_start3A_52 = arith.constant 64 : i32
      %dma_start3A_53 = arith.constant 0 : i32
      %dma_start3A_54 = tpu.memref_slice %arg10[%dma_start3A_52, %dma_start3A_53] : memref<128x128xf32, #tpu.memory_space<vmem>> -> memref<64x128xf32, #tpu.memory_space<vmem>>
      %dma_start3A_55 = arith.constant 64 : i32
      %dma_start3A_56 = tpu.memref_slice %arg7[%dma_start3A_51, %dma_start3A_55] : memref<32x128xi32, #tpu.memory_space<vmem>> -> memref<1x64xi32, #tpu.memory_space<vmem>>
      %dma_start3A_57 = tpu.memref_squeeze %dma_start3A_56 : memref<1x64xi32, #tpu.memory_space<vmem>> -> memref<64xi32, #tpu.memory_space<vmem>>
      %dma_start3A_58 = arith.constant 0 : i32
      %dma_start3A_59 = arith.constant 0 : i32
      %dma_start3A_60 = tpu.memref_slice %arg2[%dma_start3A_58, %dma_start3A_59] : memref<20480x128xf32, #tpu.memory_space<hbm>> -> memref<20480x128xf32, #tpu.memory_space<hbm>>
      tpu.enqueue_indirect_dma source(%dma_start3A_60 : memref<20480x128xf32, #tpu.memory_space<hbm>>) target(%dma_start3A_54 : memref<64x128xf32, #tpu.memory_space<vmem>>) offsets(%dma_start3A_57 : memref<64xi32, #tpu.memory_space<vmem>>) semaphore(%arg14 : memref<!tpu.dma_semaphore, #tpu.memory_space<semaphore_mem>>)
      %scan3A_61 = arith.constant 0 : i32
      %scan3A_62 = arith.constant 0 : i32
      %scan3A_63 = arith.constant 16 : i32
      %scan3A_64 = arith.addi %scan3A_62, %scan3A_63 : i32
      %scan3A_65 = arith.constant 1 : i32
      scf.for %scan3A_67 = %scan3A_62 to %scan3A_64 step %scan3A_65  : i32 {
        %mul3A_68 = arith.constant 2 : i32
        %mul3A_69 = arith.muli %mul3A_68, %scan3A_67 : i32
        %add3A_70 = arith.constant 1 : i32
        %add3A_71 = arith.addi %mul3A_69, %add3A_70 : i32
        %dma_wait3A = arith.constant 0 : i32
        %dma_wait3A_72 = arith.constant 0 : i32
        %dma_wait3A_73 = arith.constant 0 : i32
        %dma_wait3A_74 = tpu.memref_slice %arg9[%dma_wait3A_72, %dma_wait3A_73] : memref<128x128xf32, #tpu.memory_space<vmem>> -> memref<64x128xf32, #tpu.memory_space<vmem>>
        %dma_wait3A_75 = arith.constant 0 : i32
        %dma_wait3A_76 = tpu.memref_slice %arg7[%dma_wait3A, %dma_wait3A_75] : memref<32x128xi32, #tpu.memory_space<vmem>> -> memref<1x64xi32, #tpu.memory_space<vmem>>
        %dma_wait3A_77 = tpu.memref_squeeze %dma_wait3A_76 : memref<1x64xi32, #tpu.memory_space<vmem>> -> memref<64xi32, #tpu.memory_space<vmem>>
        %dma_wait3A_78 = arith.constant 0 : i32
        %dma_wait3A_79 = arith.constant 0 : i32
        %dma_wait3A_80 = tpu.memref_slice %arg2[%dma_wait3A_78, %dma_wait3A_79] : memref<20480x128xf32, #tpu.memory_space<hbm>> -> memref<20480x128xf32, #tpu.memory_space<hbm>>
        tpu.wait_indirect_dma semaphore(%arg11 : memref<!tpu.dma_semaphore, #tpu.memory_space<semaphore_mem>>) src(%dma_wait3A_80 : memref<20480x128xf32, #tpu.memory_space<hbm>>) dst(%dma_wait3A_74 : memref<64x128xf32, #tpu.memory_space<vmem>>)
        %dma_wait3A_81 = arith.constant 0 : i32
        %dma_wait3A_82 = arith.constant 64 : i32
        %dma_wait3A_83 = arith.constant 0 : i32
        %dma_wait3A_84 = tpu.memref_slice %arg9[%dma_wait3A_82, %dma_wait3A_83] : memref<128x128xf32, #tpu.memory_space<vmem>> -> memref<64x128xf32, #tpu.memory_space<vmem>>
        %dma_wait3A_85 = arith.constant 64 : i32
        %dma_wait3A_86 = tpu.memref_slice %arg7[%dma_wait3A_81, %dma_wait3A_85] : memref<32x128xi32, #tpu.memory_space<vmem>> -> memref<1x64xi32, #tpu.memory_space<vmem>>
        %dma_wait3A_87 = tpu.memref_squeeze %dma_wait3A_86 : memref<1x64xi32, #tpu.memory_space<vmem>> -> memref<64xi32, #tpu.memory_space<vmem>>
        %dma_wait3A_88 = arith.constant 0 : i32
        %dma_wait3A_89 = arith.constant 0 : i32
        %dma_wait3A_90 = tpu.memref_slice %arg2[%dma_wait3A_88, %dma_wait3A_89] : memref<20480x128xf32, #tpu.memory_space<hbm>> -> memref<20480x128xf32, #tpu.memory_space<hbm>>
        tpu.wait_indirect_dma semaphore(%arg12 : memref<!tpu.dma_semaphore, #tpu.memory_space<semaphore_mem>>) src(%dma_wait3A_90 : memref<20480x128xf32, #tpu.memory_space<hbm>>) dst(%dma_wait3A_84 : memref<64x128xf32, #tpu.memory_space<vmem>>)
        %dma_start3A_91 = arith.constant 0 : i32
        %dma_start3A_92 = tpu.memref_slice %arg8[%mul3A_69, %dma_start3A_91] : memref<32x128xi32, #tpu.memory_space<vmem>> -> memref<1x128xi32, #tpu.memory_space<vmem>>
        %dma_start3A_93 = tpu.memref_squeeze %dma_start3A_92 : memref<1x128xi32, #tpu.memory_space<vmem>> -> memref<128xi32, #tpu.memory_space<vmem>>
        %dma_start3A_94 = arith.constant 0 : i32
        %dma_start3A_95 = arith.constant 0 : i32
        %dma_start3A_96 = tpu.memref_slice %arg17[%dma_start3A_94, %dma_start3A_95] : memref<10240x128xf32, #tpu.memory_space<vmem_shared>> -> memref<10240x128xf32, #tpu.memory_space<vmem_shared>>
        tpu.enqueue_indirect_dma source(%arg9 : memref<128x128xf32, #tpu.memory_space<vmem>>) target(%dma_start3A_96 : memref<10240x128xf32, #tpu.memory_space<vmem_shared>>) offsets(%dma_start3A_93 : memref<128xi32, #tpu.memory_space<vmem>>) semaphore(%arg15 : memref<!tpu.dma_semaphore, #tpu.memory_space<semaphore_mem>>) {add = true}
        %dma_wait3A_97 = arith.constant 0 : i32
        %dma_wait3A_98 = arith.constant 0 : i32
        %dma_wait3A_99 = arith.constant 0 : i32
        %dma_wait3A_100 = tpu.memref_slice %arg10[%dma_wait3A_98, %dma_wait3A_99] : memref<128x128xf32, #tpu.memory_space<vmem>> -> memref<64x128xf32, #tpu.memory_space<vmem>>
        %dma_wait3A_101 = arith.constant 0 : i32
        %dma_wait3A_102 = tpu.memref_slice %arg7[%dma_wait3A_97, %dma_wait3A_101] : memref<32x128xi32, #tpu.memory_space<vmem>> -> memref<1x64xi32, #tpu.memory_space<vmem>>
        %dma_wait3A_103 = tpu.memref_squeeze %dma_wait3A_102 : memref<1x64xi32, #tpu.memory_space<vmem>> -> memref<64xi32, #tpu.memory_space<vmem>>
        %dma_wait3A_104 = arith.constant 0 : i32
        %dma_wait3A_105 = arith.constant 0 : i32
        %dma_wait3A_106 = tpu.memref_slice %arg2[%dma_wait3A_104, %dma_wait3A_105] : memref<20480x128xf32, #tpu.memory_space<hbm>> -> memref<20480x128xf32, #tpu.memory_space<hbm>>
        tpu.wait_indirect_dma semaphore(%arg13 : memref<!tpu.dma_semaphore, #tpu.memory_space<semaphore_mem>>) src(%dma_wait3A_106 : memref<20480x128xf32, #tpu.memory_space<hbm>>) dst(%dma_wait3A_100 : memref<64x128xf32, #tpu.memory_space<vmem>>)
        %dma_wait3A_107 = arith.constant 0 : i32
        %dma_wait3A_108 = arith.constant 64 : i32
        %dma_wait3A_109 = arith.constant 0 : i32
        %dma_wait3A_110 = tpu.memref_slice %arg10[%dma_wait3A_108, %dma_wait3A_109] : memref<128x128xf32, #tpu.memory_space<vmem>> -> memref<64x128xf32, #tpu.memory_space<vmem>>
        %dma_wait3A_111 = arith.constant 64 : i32
        %dma_wait3A_112 = tpu.memref_slice %arg7[%dma_wait3A_107, %dma_wait3A_111] : memref<32x128xi32, #tpu.memory_space<vmem>> -> memref<1x64xi32, #tpu.memory_space<vmem>>
        %dma_wait3A_113 = tpu.memref_squeeze %dma_wait3A_112 : memref<1x64xi32, #tpu.memory_space<vmem>> -> memref<64xi32, #tpu.memory_space<vmem>>
        %dma_wait3A_114 = arith.constant 0 : i32
        %dma_wait3A_115 = arith.constant 0 : i32
        %dma_wait3A_116 = tpu.memref_slice %arg2[%dma_wait3A_114, %dma_wait3A_115] : memref<20480x128xf32, #tpu.memory_space<hbm>> -> memref<20480x128xf32, #tpu.memory_space<hbm>>
        tpu.wait_indirect_dma semaphore(%arg14 : memref<!tpu.dma_semaphore, #tpu.memory_space<semaphore_mem>>) src(%dma_wait3A_116 : memref<20480x128xf32, #tpu.memory_space<hbm>>) dst(%dma_wait3A_110 : memref<64x128xf32, #tpu.memory_space<vmem>>)
        %dma_start3A_117 = arith.constant 0 : i32
        %dma_start3A_118 = tpu.memref_slice %arg8[%add3A_71, %dma_start3A_117] : memref<32x128xi32, #tpu.memory_space<vmem>> -> memref<1x128xi32, #tpu.memory_space<vmem>>
        %dma_start3A_119 = tpu.memref_squeeze %dma_start3A_118 : memref<1x128xi32, #tpu.memory_space<vmem>> -> memref<128xi32, #tpu.memory_space<vmem>>
        %dma_start3A_120 = arith.constant 0 : i32
        %dma_start3A_121 = arith.constant 0 : i32
        %dma_start3A_122 = tpu.memref_slice %arg17[%dma_start3A_120, %dma_start3A_121] : memref<10240x128xf32, #tpu.memory_space<vmem_shared>> -> memref<10240x128xf32, #tpu.memory_space<vmem_shared>>
        tpu.enqueue_indirect_dma source(%arg10 : memref<128x128xf32, #tpu.memory_space<vmem>>) target(%dma_start3A_122 : memref<10240x128xf32, #tpu.memory_space<vmem_shared>>) offsets(%dma_start3A_119 : memref<128xi32, #tpu.memory_space<vmem>>) semaphore(%arg16 : memref<!tpu.dma_semaphore, #tpu.memory_space<semaphore_mem>>) {add = true}
        %add3A_123 = arith.constant 1 : i32
        %add3A_124 = arith.addi %scan3A_67, %add3A_123 : i32
        %lt3A = arith.constant 16 : i32
        %lt3A_125 = arith.cmpi slt, %add3A_124, %lt3A : i32
        %convert_element_type3A = arith.extui %lt3A_125 : i1 to i32
        %cond3A = arith.constant 0 : i32
        %cond3A_126 = arith.cmpi ne, %convert_element_type3A, %cond3A : i32
        scf.if %cond3A_126 {
          %dma_wait3A_133 = arith.constant 0 : i32
          %dma_wait3A_134 = tpu.memref_slice %arg8[%mul3A_69, %dma_wait3A_133] : memref<32x128xi32, #tpu.memory_space<vmem>> -> memref<1x128xi32, #tpu.memory_space<vmem>>
          %dma_wait3A_135 = tpu.memref_squeeze %dma_wait3A_134 : memref<1x128xi32, #tpu.memory_space<vmem>> -> memref<128xi32, #tpu.memory_space<vmem>>
          %dma_wait3A_136 = arith.constant 0 : i32
          %dma_wait3A_137 = arith.constant 0 : i32
          %dma_wait3A_138 = tpu.memref_slice %arg17[%dma_wait3A_136, %dma_wait3A_137] : memref<10240x128xf32, #tpu.memory_space<vmem_shared>> -> memref<10240x128xf32, #tpu.memory_space<vmem_shared>>
          tpu.wait_indirect_dma semaphore(%arg15 : memref<!tpu.dma_semaphore, #tpu.memory_space<semaphore_mem>>) src(%arg9 : memref<128x128xf32, #tpu.memory_space<vmem>>) dst(%dma_wait3A_138 : memref<10240x128xf32, #tpu.memory_space<vmem_shared>>)
          %add3A_139 = arith.constant 2 : i32
          %add3A_140 = arith.addi %mul3A_69, %add3A_139 : i32
          %dma_start3A_141 = arith.constant 0 : i32
          %dma_start3A_142 = arith.constant 0 : i32
          %dma_start3A_143 = tpu.memref_slice %arg9[%dma_start3A_141, %dma_start3A_142] : memref<128x128xf32, #tpu.memory_space<vmem>> -> memref<64x128xf32, #tpu.memory_space<vmem>>
          %dma_start3A_144 = arith.constant 0 : i32
          %dma_start3A_145 = tpu.memref_slice %arg7[%add3A_140, %dma_start3A_144] : memref<32x128xi32, #tpu.memory_space<vmem>> -> memref<1x64xi32, #tpu.memory_space<vmem>>
          %dma_start3A_146 = tpu.memref_squeeze %dma_start3A_145 : memref<1x64xi32, #tpu.memory_space<vmem>> -> memref<64xi32, #tpu.memory_space<vmem>>
          %dma_start3A_147 = arith.constant 0 : i32
          %dma_start3A_148 = arith.constant 0 : i32
          %dma_start3A_149 = tpu.memref_slice %arg2[%dma_start3A_147, %dma_start3A_148] : memref<20480x128xf32, #tpu.memory_space<hbm>> -> memref<20480x128xf32, #tpu.memory_space<hbm>>
          tpu.enqueue_indirect_dma source(%dma_start3A_149 : memref<20480x128xf32, #tpu.memory_space<hbm>>) target(%dma_start3A_143 : memref<64x128xf32, #tpu.memory_space<vmem>>) offsets(%dma_start3A_146 : memref<64xi32, #tpu.memory_space<vmem>>) semaphore(%arg11 : memref<!tpu.dma_semaphore, #tpu.memory_space<semaphore_mem>>)
          %dma_start3A_150 = arith.constant 64 : i32
          %dma_start3A_151 = arith.constant 0 : i32
          %dma_start3A_152 = tpu.memref_slice %arg9[%dma_start3A_150, %dma_start3A_151] : memref<128x128xf32, #tpu.memory_space<vmem>> -> memref<64x128xf32, #tpu.memory_space<vmem>>
          %dma_start3A_153 = arith.constant 64 : i32
          %dma_start3A_154 = tpu.memref_slice %arg7[%add3A_140, %dma_start3A_153] : memref<32x128xi32, #tpu.memory_space<vmem>> -> memref<1x64xi32, #tpu.memory_space<vmem>>
          %dma_start3A_155 = tpu.memref_squeeze %dma_start3A_154 : memref<1x64xi32, #tpu.memory_space<vmem>> -> memref<64xi32, #tpu.memory_space<vmem>>
          %dma_start3A_156 = arith.constant 0 : i32
          %dma_start3A_157 = arith.constant 0 : i32
          %dma_start3A_158 = tpu.memref_slice %arg2[%dma_start3A_156, %dma_start3A_157] : memref<20480x128xf32, #tpu.memory_space<hbm>> -> memref<20480x128xf32, #tpu.memory_space<hbm>>
          tpu.enqueue_indirect_dma source(%dma_start3A_158 : memref<20480x128xf32, #tpu.memory_space<hbm>>) target(%dma_start3A_152 : memref<64x128xf32, #tpu.memory_space<vmem>>) offsets(%dma_start3A_155 : memref<64xi32, #tpu.memory_space<vmem>>) semaphore(%arg12 : memref<!tpu.dma_semaphore, #tpu.memory_space<semaphore_mem>>)
          %dma_wait3A_159 = arith.constant 0 : i32
          %dma_wait3A_160 = tpu.memref_slice %arg8[%add3A_71, %dma_wait3A_159] : memref<32x128xi32, #tpu.memory_space<vmem>> -> memref<1x128xi32, #tpu.memory_space<vmem>>
          %dma_wait3A_161 = tpu.memref_squeeze %dma_wait3A_160 : memref<1x128xi32, #tpu.memory_space<vmem>> -> memref<128xi32, #tpu.memory_space<vmem>>
          %dma_wait3A_162 = arith.constant 0 : i32
          %dma_wait3A_163 = arith.constant 0 : i32
          %dma_wait3A_164 = tpu.memref_slice %arg17[%dma_wait3A_162, %dma_wait3A_163] : memref<10240x128xf32, #tpu.memory_space<vmem_shared>> -> memref<10240x128xf32, #tpu.memory_space<vmem_shared>>
          tpu.wait_indirect_dma semaphore(%arg16 : memref<!tpu.dma_semaphore, #tpu.memory_space<semaphore_mem>>) src(%arg10 : memref<128x128xf32, #tpu.memory_space<vmem>>) dst(%dma_wait3A_164 : memref<10240x128xf32, #tpu.memory_space<vmem_shared>>)
          %add3A_165 = arith.constant 2 : i32
          %add3A_166 = arith.addi %add3A_71, %add3A_165 : i32
          %dma_start3A_167 = arith.constant 0 : i32
          %dma_start3A_168 = arith.constant 0 : i32
          %dma_start3A_169 = tpu.memref_slice %arg10[%dma_start3A_167, %dma_start3A_168] : memref<128x128xf32, #tpu.memory_space<vmem>> -> memref<64x128xf32, #tpu.memory_space<vmem>>
          %dma_start3A_170 = arith.constant 0 : i32
          %dma_start3A_171 = tpu.memref_slice %arg7[%add3A_166, %dma_start3A_170] : memref<32x128xi32, #tpu.memory_space<vmem>> -> memref<1x64xi32, #tpu.memory_space<vmem>>
          %dma_start3A_172 = tpu.memref_squeeze %dma_start3A_171 : memref<1x64xi32, #tpu.memory_space<vmem>> -> memref<64xi32, #tpu.memory_space<vmem>>
          %dma_start3A_173 = arith.constant 0 : i32
          %dma_start3A_174 = arith.constant 0 : i32
          %dma_start3A_175 = tpu.memref_slice %arg2[%dma_start3A_173, %dma_start3A_174] : memref<20480x128xf32, #tpu.memory_space<hbm>> -> memref<20480x128xf32, #tpu.memory_space<hbm>>
          tpu.enqueue_indirect_dma source(%dma_start3A_175 : memref<20480x128xf32, #tpu.memory_space<hbm>>) target(%dma_start3A_169 : memref<64x128xf32, #tpu.memory_space<vmem>>) offsets(%dma_start3A_172 : memref<64xi32, #tpu.memory_space<vmem>>) semaphore(%arg13 : memref<!tpu.dma_semaphore, #tpu.memory_space<semaphore_mem>>)
          %dma_start3A_176 = arith.constant 64 : i32
          %dma_start3A_177 = arith.constant 0 : i32
          %dma_start3A_178 = tpu.memref_slice %arg10[%dma_start3A_176, %dma_start3A_177] : memref<128x128xf32, #tpu.memory_space<vmem>> -> memref<64x128xf32, #tpu.memory_space<vmem>>
          %dma_start3A_179 = arith.constant 64 : i32
          %dma_start3A_180 = tpu.memref_slice %arg7[%add3A_166, %dma_start3A_179] : memref<32x128xi32, #tpu.memory_space<vmem>> -> memref<1x64xi32, #tpu.memory_space<vmem>>
          %dma_start3A_181 = tpu.memref_squeeze %dma_start3A_180 : memref<1x64xi32, #tpu.memory_space<vmem>> -> memref<64xi32, #tpu.memory_space<vmem>>
          %dma_start3A_182 = arith.constant 0 : i32
          %dma_start3A_183 = arith.constant 0 : i32
          %dma_start3A_184 = tpu.memref_slice %arg2[%dma_start3A_182, %dma_start3A_183] : memref<20480x128xf32, #tpu.memory_space<hbm>> -> memref<20480x128xf32, #tpu.memory_space<hbm>>
          tpu.enqueue_indirect_dma source(%dma_start3A_184 : memref<20480x128xf32, #tpu.memory_space<hbm>>) target(%dma_start3A_178 : memref<64x128xf32, #tpu.memory_space<vmem>>) offsets(%dma_start3A_181 : memref<64xi32, #tpu.memory_space<vmem>>) semaphore(%arg14 : memref<!tpu.dma_semaphore, #tpu.memory_space<semaphore_mem>>)
        } else {
        }
        %add3A_127 = arith.constant 1 : i32
        %add3A_128 = arith.addi %scan3A_67, %add3A_127 : i32
        %ge3A = arith.constant 16 : i32
        %ge3A_129 = arith.cmpi sge, %add3A_128, %ge3A : i32
        %convert_element_type3A_130 = arith.extui %ge3A_129 : i1 to i32
        %cond3A_131 = arith.constant 0 : i32
        %cond3A_132 = arith.cmpi ne, %convert_element_type3A_130, %cond3A_131 : i32
        scf.if %cond3A_132 {
          %dma_wait3A_133 = arith.constant 0 : i32
          %dma_wait3A_134 = tpu.memref_slice %arg8[%mul3A_69, %dma_wait3A_133] : memref<32x128xi32, #tpu.memory_space<vmem>> -> memref<1x128xi32, #tpu.memory_space<vmem>>
          %dma_wait3A_135 = tpu.memref_squeeze %dma_wait3A_134 : memref<1x128xi32, #tpu.memory_space<vmem>> -> memref<128xi32, #tpu.memory_space<vmem>>
          %dma_wait3A_136 = arith.constant 0 : i32
          %dma_wait3A_137 = arith.constant 0 : i32
          %dma_wait3A_138 = tpu.memref_slice %arg17[%dma_wait3A_136, %dma_wait3A_137] : memref<10240x128xf32, #tpu.memory_space<vmem_shared>> -> memref<10240x128xf32, #tpu.memory_space<vmem_shared>>
          tpu.wait_indirect_dma semaphore(%arg15 : memref<!tpu.dma_semaphore, #tpu.memory_space<semaphore_mem>>) src(%arg9 : memref<128x128xf32, #tpu.memory_space<vmem>>) dst(%dma_wait3A_138 : memref<10240x128xf32, #tpu.memory_space<vmem_shared>>)
          %dma_wait3A_139 = arith.constant 0 : i32
          %dma_wait3A_140 = tpu.memref_slice %arg8[%add3A_71, %dma_wait3A_139] : memref<32x128xi32, #tpu.memory_space<vmem>> -> memref<1x128xi32, #tpu.memory_space<vmem>>
          %dma_wait3A_141 = tpu.memref_squeeze %dma_wait3A_140 : memref<1x128xi32, #tpu.memory_space<vmem>> -> memref<128xi32, #tpu.memory_space<vmem>>
          %dma_wait3A_142 = arith.constant 0 : i32
          %dma_wait3A_143 = arith.constant 0 : i32
          %dma_wait3A_144 = tpu.memref_slice %arg17[%dma_wait3A_142, %dma_wait3A_143] : memref<10240x128xf32, #tpu.memory_space<vmem_shared>> -> memref<10240x128xf32, #tpu.memory_space<vmem_shared>>
          tpu.wait_indirect_dma semaphore(%arg16 : memref<!tpu.dma_semaphore, #tpu.memory_space<semaphore_mem>>) src(%arg10 : memref<128x128xf32, #tpu.memory_space<vmem>>) dst(%dma_wait3A_144 : memref<10240x128xf32, #tpu.memory_space<vmem_shared>>)
        } else {
        }
      }
      %scan3A_66 = arith.constant 16 : i32
    }
    %scan3A_7 = arith.constant 5 : i32
    %barrier3A_8 = arith.constant 0 : index
    tpu.barrier barrier_id(%barrier3A_8)
    %mul3A_9 = arith.constant 640 : i32
    %mul3A_10 = arith.muli %arg1, %mul3A_9 : i32
    %mul3A_11 = arith.constant 10240 : i32
    %mul3A_12 = arith.muli %arg0, %mul3A_11 : i32
    %mul3A_13 = arith.constant 640 : i32
    %mul3A_14 = arith.muli %arg1, %mul3A_13 : i32
    %add3A_15 = arith.addi %mul3A_12, %mul3A_14 : i32
    "tpu.region"() ({
      %run_scoped3A = tpu.sem_alloc : memref<!tpu.dma_semaphore, #tpu.memory_space<semaphore_mem>>
      %dma_start3A = arith.constant 0 : i32
      %dma_start3A_16 = tpu.memref_slice %arg6[%add3A_15, %dma_start3A] : memref<20480x128xf32, #tpu.memory_space<hbm>> -> memref<640x128xf32, #tpu.memory_space<hbm>>
      %dma_start3A_17 = arith.constant 0 : i32
      %dma_start3A_18 = tpu.memref_slice %arg17[%mul3A_10, %dma_start3A_17] : memref<10240x128xf32, #tpu.memory_space<vmem_shared>> -> memref<640x128xf32, #tpu.memory_space<vmem_shared>>
      tpu.enqueue_dma source(%dma_start3A_18 : memref<640x128xf32, #tpu.memory_space<vmem_shared>>) target(%dma_start3A_16 : memref<640x128xf32, #tpu.memory_space<hbm>>) target_semaphore(%run_scoped3A : memref<!tpu.dma_semaphore, #tpu.memory_space<semaphore_mem>>)
      %dma_wait3A = arith.constant 0 : i32
      %dma_wait3A_19 = tpu.memref_slice %arg6[%add3A_15, %dma_wait3A] : memref<20480x128xf32, #tpu.memory_space<hbm>> -> memref<640x128xf32, #tpu.memory_space<hbm>>
      %dma_wait3A_20 = arith.constant 0 : i32
      %dma_wait3A_21 = tpu.memref_slice %arg17[%mul3A_10, %dma_wait3A_20] : memref<10240x128xf32, #tpu.memory_space<vmem_shared>> -> memref<640x128xf32, #tpu.memory_space<vmem_shared>>
      tpu.wait_dma2 semaphore(%run_scoped3A : memref<!tpu.dma_semaphore, #tpu.memory_space<semaphore_mem>>) src(%dma_wait3A_21 : memref<640x128xf32, #tpu.memory_space<vmem_shared>>) dst(%dma_wait3A_19 : memref<640x128xf32, #tpu.memory_space<hbm>>)
      tpu.yield
    }) : () -> ()
    return
  }
}

module attributes {stable_mosaic.version = 14 : i64} {
  func.func @_tc_hn1_body(%arg0: i32, %arg1: memref<512x16xf32, #tpu.memory_space<vmem>>, %arg2: memref<512x1xi32, #tpu.memory_space<vmem>>, %arg3: memref<16x128xf32, #tpu.memory_space<vmem>>, %arg4: memref<128x128xf32, #tpu.memory_space<vmem>>, %arg5: memref<512x128xf32, #tpu.memory_space<vmem>>) attributes {dimension_semantics = [#tpu.dimension_semantics<arbitrary>], iteration_bounds = array<i64: 40>, scalar_prefetch = 0 : i64, scratch_operands = 0 : i64, tpu.core_type = #tpu.core_type<tc>, window_params = [{transform_indices = @transform_0, window_bounds = array<i64: 512, 16>}, {transform_indices = @transform_1, window_bounds = array<i64: 512, 1>}, {pipeline_mode = #tpu.pipeline_mode<synchronous>, transform_indices = @transform_2, window_bounds = array<i64: 16, 128>}, {pipeline_mode = #tpu.pipeline_mode<synchronous>, transform_indices = @transform_3, window_bounds = array<i64: 128, 128>}, {transform_indices = @transform_4, window_bounds = array<i64: 512, 128>}]} {
    %get3A = arith.constant 0 : index
    %get3A_0 = arith.constant 0 : index
    %get3A_1 = vector.load %arg1[%get3A, %get3A_0] : memref<512x16xf32, #tpu.memory_space<vmem>>, vector<512x16xf32>
    %reduce_sum3A = arith.constant dense<0.000000e+00> : vector<512xf32>
    %reduce_sum3A_2 = vector.multi_reduction <add>, %get3A_1, %reduce_sum3A [1] : vector<512x16xf32> to vector<512xf32>
    %broadcast_in_dim3A = vector.shape_cast %reduce_sum3A_2 : vector<512xf32> to vector<512x1xf32>
    %add3A = arith.constant 1.000000e+00 : f32
    %add3A_3 = vector.broadcast %add3A : f32 to vector<512x1xf32>
    %add3A_4 = arith.addf %broadcast_in_dim3A, %add3A_3 : vector<512x1xf32>
    %rsqrt3A = math.rsqrt %add3A_4 : vector<512x1xf32>
    %get3A_5 = arith.constant 0 : index
    %get3A_6 = arith.constant 0 : index
    %get3A_7 = vector.load %arg2[%get3A_5, %get3A_6] : memref<512x1xi32, #tpu.memory_space<vmem>>, vector<512x1xi32>
    %iota3A = tpu.iota {dimensions = array<i32: 1>} : vector<512x16xi32>
    %eq3A = vector.broadcast %get3A_7 : vector<512x1xi32> to vector<512x16xi32>
    %eq3A_8 = arith.cmpi eq, %eq3A, %iota3A : vector<512x16xi32>
    %convert_element_type3A = arith.extui %eq3A_8 : vector<512x16xi1> to vector<512x16xi32>
    %convert_element_type3A_9 = arith.sitofp %convert_element_type3A : vector<512x16xi32> to vector<512x16xf32>
    %get3A_10 = arith.constant 0 : index
    %get3A_11 = arith.constant 0 : index
    %get3A_12 = vector.load %arg3[%get3A_10, %get3A_11] : memref<16x128xf32, #tpu.memory_space<vmem>>, vector<16x128xf32>
    %get3A_13 = arith.constant 0 : index
    %get3A_14 = arith.constant 0 : index
    %get3A_15 = vector.load %arg4[%get3A_13, %get3A_14] : memref<128x128xf32, #tpu.memory_space<vmem>>, vector<128x128xf32>
    %dot_general3A = arith.constant dense<0.000000e+00> : vector<16x128xf32>
    %dot_general3A_16 = tpu.matmul %get3A_12, %get3A_15, %dot_general3A {dimension_numbers = #tpu.dot_dimension_numbers<[1], [0], [0], [1], [0, 0, 1, 1], [], []>, transpose_lhs_hint = false} : vector<16x128xf32>, vector<128x128xf32>, vector<16x128xf32> -> vector<16x128xf32>
    %dot_general3A_17 = arith.constant dense<0.000000e+00> : vector<512x128xf32>
    %dot_general3A_18 = tpu.matmul %convert_element_type3A_9, %dot_general3A_16, %dot_general3A_17 {dimension_numbers = #tpu.dot_dimension_numbers<[1], [0], [0], [1], [0, 0, 1, 1], [], []>, transpose_lhs_hint = false} : vector<512x16xf32>, vector<16x128xf32>, vector<512x128xf32> -> vector<512x128xf32>
    %mul3A = vector.broadcast %rsqrt3A : vector<512x1xf32> to vector<512x128xf32>
    %mul3A_19 = arith.mulf %dot_general3A_18, %mul3A : vector<512x128xf32>
    %swap3A = arith.constant 0 : index
    %swap3A_20 = arith.constant 0 : index
    %swap3A_21 = vector.load %arg5[%swap3A, %swap3A_20] : memref<512x128xf32, #tpu.memory_space<vmem>>, vector<512x128xf32>
    tpu.vector_store %arg5[%swap3A, %swap3A_20], %mul3A_19 {strides = array<i32>} : memref<512x128xf32, #tpu.memory_space<vmem>>, vector<512x128xf32>,
    return
  }
  func.func @transform_0(%arg0: i32) -> (i32, i32) {
    %c0_i32 = arith.constant 0 : i32
    %c0_i32_0 = arith.constant 0 : i32
    return %arg0, %c0_i32 : i32, i32
  }
  func.func @transform_1(%arg0: i32) -> (i32, i32) {
    %c0_i32 = arith.constant 0 : i32
    %c0_i32_0 = arith.constant 0 : i32
    return %arg0, %c0_i32 : i32, i32
  }
  func.func @transform_2(%arg0: i32) -> (i32, i32) {
    %c0_i32 = arith.constant 0 : i32
    %c0_i32_0 = arith.constant 0 : i32
    %c0_i32_1 = arith.constant 0 : i32
    return %c0_i32, %c0_i32_0 : i32, i32
  }
  func.func @transform_3(%arg0: i32) -> (i32, i32) {
    %c0_i32 = arith.constant 0 : i32
    %c0_i32_0 = arith.constant 0 : i32
    %c0_i32_1 = arith.constant 0 : i32
    return %c0_i32, %c0_i32_0 : i32, i32
  }
  func.func @transform_4(%arg0: i32) -> (i32, i32) {
    %c0_i32 = arith.constant 0 : i32
    %c0_i32_0 = arith.constant 0 : i32
    return %arg0, %c0_i32 : i32, i32
  }
}

module attributes {stable_mosaic.version = 14 : i64} {
  func.func @_tc_hn2_body(%arg0: i32, %arg1: memref<512x128xf32, #tpu.memory_space<vmem>>, %arg2: memref<512x128xf32, #tpu.memory_space<vmem>>, %arg3: memref<512x16xf32, #tpu.memory_space<vmem>>, %arg4: memref<1x128xf32, #tpu.memory_space<vmem>>, %arg5: memref<128x128xf32, #tpu.memory_space<vmem>>, %arg6: memref<512x128xf32, #tpu.memory_space<vmem>>) attributes {dimension_semantics = [#tpu.dimension_semantics<arbitrary>], iteration_bounds = array<i64: 40>, scalar_prefetch = 0 : i64, scratch_operands = 0 : i64, tpu.core_type = #tpu.core_type<tc>, window_params = [{transform_indices = @transform_0, window_bounds = array<i64: 512, 128>}, {transform_indices = @transform_1, window_bounds = array<i64: 512, 128>}, {transform_indices = @transform_2, window_bounds = array<i64: 512, 16>}, {pipeline_mode = #tpu.pipeline_mode<synchronous>, transform_indices = @transform_3, window_bounds = array<i64: 1, 128>}, {pipeline_mode = #tpu.pipeline_mode<synchronous>, transform_indices = @transform_4, window_bounds = array<i64: 128, 128>}, {transform_indices = @transform_5, window_bounds = array<i64: 512, 128>}]} {
    %get3A = arith.constant 0 : index
    %get3A_0 = arith.constant 0 : index
    %get3A_1 = vector.load %arg3[%get3A, %get3A_0] : memref<512x16xf32, #tpu.memory_space<vmem>>, vector<512x16xf32>
    %reduce_sum3A = arith.constant dense<0.000000e+00> : vector<512xf32>
    %reduce_sum3A_2 = vector.multi_reduction <add>, %get3A_1, %reduce_sum3A [1] : vector<512x16xf32> to vector<512xf32>
    %broadcast_in_dim3A = vector.shape_cast %reduce_sum3A_2 : vector<512xf32> to vector<512x1xf32>
    %add3A = arith.constant 1.000000e+00 : f32
    %add3A_3 = vector.broadcast %add3A : f32 to vector<512x1xf32>
    %add3A_4 = arith.addf %broadcast_in_dim3A, %add3A_3 : vector<512x1xf32>
    %rsqrt3A = math.rsqrt %add3A_4 : vector<512x1xf32>
    %get3A_5 = arith.constant 0 : index
    %get3A_6 = arith.constant 0 : index
    %get3A_7 = vector.load %arg1[%get3A_5, %get3A_6] : memref<512x128xf32, #tpu.memory_space<vmem>>, vector<512x128xf32>
    %get3A_8 = arith.constant 0 : index
    %get3A_9 = arith.constant 0 : index
    %get3A_10 = vector.load %arg2[%get3A_8, %get3A_9] : memref<512x128xf32, #tpu.memory_space<vmem>>, vector<512x128xf32>
    %add3A_11 = arith.addf %get3A_7, %get3A_10 : vector<512x128xf32>
    %mul3A = vector.broadcast %rsqrt3A : vector<512x1xf32> to vector<512x128xf32>
    %mul3A_12 = arith.mulf %add3A_11, %mul3A : vector<512x128xf32>
    %get3A_13 = arith.constant 0 : index
    %get3A_14 = arith.constant 0 : index
    %get3A_15 = vector.load %arg4[%get3A_13, %get3A_14] : memref<1x128xf32, #tpu.memory_space<vmem>>, vector<1x128xf32>
    %add3A_16 = vector.broadcast %get3A_15 : vector<1x128xf32> to vector<512x128xf32>
    %add3A_17 = arith.addf %mul3A_12, %add3A_16 : vector<512x128xf32>
    %max3A = arith.constant 0.000000e+00 : f32
    %max3A_18 = vector.broadcast %max3A : f32 to vector<512x128xf32>
    %max3A_19 = arith.maximumf %add3A_17, %max3A_18 : vector<512x128xf32>
    %get3A_20 = arith.constant 0 : index
    %get3A_21 = arith.constant 0 : index
    %get3A_22 = vector.load %arg5[%get3A_20, %get3A_21] : memref<128x128xf32, #tpu.memory_space<vmem>>, vector<128x128xf32>
    %dot_general3A = arith.constant dense<0.000000e+00> : vector<512x128xf32>
    %dot_general3A_23 = tpu.matmul %max3A_19, %get3A_22, %dot_general3A {dimension_numbers = #tpu.dot_dimension_numbers<[1], [0], [0], [1], [0, 0, 1, 1], [], []>, transpose_lhs_hint = false} : vector<512x128xf32>, vector<128x128xf32>, vector<512x128xf32> -> vector<512x128xf32>
    %mul3A_24 = vector.broadcast %rsqrt3A : vector<512x1xf32> to vector<512x128xf32>
    %mul3A_25 = arith.mulf %dot_general3A_23, %mul3A_24 : vector<512x128xf32>
    %swap3A = arith.constant 0 : index
    %swap3A_26 = arith.constant 0 : index
    %swap3A_27 = vector.load %arg6[%swap3A, %swap3A_26] : memref<512x128xf32, #tpu.memory_space<vmem>>, vector<512x128xf32>
    tpu.vector_store %arg6[%swap3A, %swap3A_26], %mul3A_25 {strides = array<i32>} : memref<512x128xf32, #tpu.memory_space<vmem>>, vector<512x128xf32>,
    return
  }
  func.func @transform_0(%arg0: i32) -> (i32, i32) {
    %c0_i32 = arith.constant 0 : i32
    %c0_i32_0 = arith.constant 0 : i32
    return %arg0, %c0_i32 : i32, i32
  }
  func.func @transform_1(%arg0: i32) -> (i32, i32) {
    %c0_i32 = arith.constant 0 : i32
    %c0_i32_0 = arith.constant 0 : i32
    return %arg0, %c0_i32 : i32, i32
  }
  func.func @transform_2(%arg0: i32) -> (i32, i32) {
    %c0_i32 = arith.constant 0 : i32
    %c0_i32_0 = arith.constant 0 : i32
    return %arg0, %c0_i32 : i32, i32
  }
  func.func @transform_3(%arg0: i32) -> (i32, i32) {
    %c0_i32 = arith.constant 0 : i32
    %c0_i32_0 = arith.constant 0 : i32
    %c0_i32_1 = arith.constant 0 : i32
    return %c0_i32, %c0_i32_0 : i32, i32
  }
  func.func @transform_4(%arg0: i32) -> (i32, i32) {
    %c0_i32 = arith.constant 0 : i32
    %c0_i32_0 = arith.constant 0 : i32
    %c0_i32_1 = arith.constant 0 : i32
    return %c0_i32, %c0_i32_0 : i32, i32
  }
  func.func @transform_5(%arg0: i32) -> (i32, i32) {
    %c0_i32 = arith.constant 0 : i32
    %c0_i32_0 = arith.constant 0 : i32
    return %arg0, %c0_i32 : i32, i32
  }
}

module attributes {stable_mosaic.version = 14 : i64} {
  func.func @_tc_final_body(%arg0: i32, %arg1: i32, %arg2: memref<512x128xf32, #tpu.memory_space<vmem>>, %arg3: memref<512x128xf32, #tpu.memory_space<vmem>>, %arg4: memref<512x16xf32, #tpu.memory_space<vmem>>, %arg5: memref<512x1xi32, #tpu.memory_space<vmem>>, %arg6: memref<1x128xf32, #tpu.memory_space<vmem>>, %arg7: memref<128x128xf32, #tpu.memory_space<vmem>>, %arg8: memref<1x128xf32, #tpu.memory_space<vmem>>, %arg9: memref<128x128xf32, #tpu.memory_space<vmem>>, %arg10: memref<1x128xf32, #tpu.memory_space<vmem>>, %arg11: memref<128x128xf32, #tpu.memory_space<vmem>>, %arg12: memref<1x128xf32, #tpu.memory_space<vmem>>, %arg13: memref<128x128xf32, #tpu.memory_space<vmem>>, %arg14: memref<1x128xf32, #tpu.memory_space<vmem>>, %arg15: memref<64x128xf32, #tpu.memory_space<vmem>>, %arg16: memref<64x128xf32, #tpu.memory_space<vmem>>, %arg17: memref<64x128xf32, #tpu.memory_space<vmem>>, %arg18: memref<64x128xf32, #tpu.memory_space<vmem>>) attributes {dimension_semantics = [#tpu.dimension_semantics<arbitrary>, #tpu.dimension_semantics<arbitrary>], iteration_bounds = array<i64: 2, 20>, scalar_prefetch = 0 : i64, scratch_operands = 3 : i64, tpu.core_type = #tpu.core_type<tc>, window_params = [{transform_indices = @transform_0, window_bounds = array<i64: 512, 128>}, {transform_indices = @transform_1, window_bounds = array<i64: 512, 128>}, {transform_indices = @transform_2, window_bounds = array<i64: 512, 16>}, {transform_indices = @transform_3, window_bounds = array<i64: 512, 1>}, {pipeline_mode = #tpu.pipeline_mode<synchronous>, transform_indices = @transform_4, window_bounds = array<i64: 1, 128>}, {pipeline_mode = #tpu.pipeline_mode<synchronous>, transform_indices = @transform_5, window_bounds = array<i64: 128, 128>}, {pipeline_mode = #tpu.pipeline_mode<synchronous>, transform_indices = @transform_6, window_bounds = array<i64: 1, 128>}, {pipeline_mode = #tpu.pipeline_mode<synchronous>, transform_indices = @transform_7, window_bounds = array<i64: 128, 128>}, {pipeline_mode = #tpu.pipeline_mode<synchronous>, transform_indices = @transform_8, window_bounds = array<i64: 1, 128>}, {pipeline_mode = #tpu.pipeline_mode<synchronous>, transform_indices = @transform_9, window_bounds = array<i64: 128, 128>}, {pipeline_mode = #tpu.pipeline_mode<synchronous>, transform_indices = @transform_10, window_bounds = array<i64: 1, 128>}, {pipeline_mode = #tpu.pipeline_mode<synchronous>, transform_indices = @transform_11, window_bounds = array<i64: 128, 128>}, {pipeline_mode = #tpu.pipeline_mode<synchronous>, transform_indices = @transform_12, window_bounds = array<i64: 1, 128>}, {pipeline_mode = #tpu.pipeline_mode<synchronous>, transform_indices = @transform_13, window_bounds = array<i64: 64, 128>}]} {
    %eq3A = arith.constant 0 : i32
    %eq3A_0 = arith.cmpi eq, %arg1, %eq3A : i32
    %convert_element_type3A = arith.extui %eq3A_0 : i1 to i32
    %cond3A = arith.constant 0 : i32
    %cond3A_1 = arith.cmpi ne, %convert_element_type3A, %cond3A : i32
    scf.if %cond3A_1 {
      %broadcast_in_dim3A_53 = arith.constant 0.000000e+00 : f32
      %broadcast_in_dim3A_54 = vector.broadcast %broadcast_in_dim3A_53 : f32 to vector<64x128xf32>
      %swap3A_55 = arith.constant 0 : index
      %swap3A_56 = arith.constant 0 : index
      %swap3A_57 = vector.load %arg16[%swap3A_55, %swap3A_56] : memref<64x128xf32, #tpu.memory_space<vmem>>, vector<64x128xf32>
      tpu.vector_store %arg16[%swap3A_55, %swap3A_56], %broadcast_in_dim3A_54 {strides = array<i32>} : memref<64x128xf32, #tpu.memory_space<vmem>>, vector<64x128xf32>,
      %broadcast_in_dim3A_58 = arith.constant 0.000000e+00 : f32
      %broadcast_in_dim3A_59 = vector.broadcast %broadcast_in_dim3A_58 : f32 to vector<64x128xf32>
      %swap3A_60 = arith.constant 0 : index
      %swap3A_61 = arith.constant 0 : index
      %swap3A_62 = vector.load %arg17[%swap3A_60, %swap3A_61] : memref<64x128xf32, #tpu.memory_space<vmem>>, vector<64x128xf32>
      tpu.vector_store %arg17[%swap3A_60, %swap3A_61], %broadcast_in_dim3A_59 {strides = array<i32>} : memref<64x128xf32, #tpu.memory_space<vmem>>, vector<64x128xf32>,
    } else {
    }
    %get3A = arith.constant 0 : index
    %get3A_2 = arith.constant 0 : index
    %get3A_3 = vector.load %arg4[%get3A, %get3A_2] : memref<512x16xf32, #tpu.memory_space<vmem>>, vector<512x16xf32>
    %reduce_sum3A = arith.constant dense<0.000000e+00> : vector<512xf32>
    %reduce_sum3A_4 = vector.multi_reduction <add>, %get3A_3, %reduce_sum3A [1] : vector<512x16xf32> to vector<512xf32>
    %broadcast_in_dim3A = vector.shape_cast %reduce_sum3A_4 : vector<512xf32> to vector<512x1xf32>
    %add3A = arith.constant 1.000000e+00 : f32
    %add3A_5 = vector.broadcast %add3A : f32 to vector<512x1xf32>
    %add3A_6 = arith.addf %broadcast_in_dim3A, %add3A_5 : vector<512x1xf32>
    %rsqrt3A = math.rsqrt %add3A_6 : vector<512x1xf32>
    %get3A_7 = arith.constant 0 : index
    %get3A_8 = arith.constant 0 : index
    %get3A_9 = vector.load %arg2[%get3A_7, %get3A_8] : memref<512x128xf32, #tpu.memory_space<vmem>>, vector<512x128xf32>
    %get3A_10 = arith.constant 0 : index
    %get3A_11 = arith.constant 0 : index
    %get3A_12 = vector.load %arg3[%get3A_10, %get3A_11] : memref<512x128xf32, #tpu.memory_space<vmem>>, vector<512x128xf32>
    %add3A_13 = arith.addf %get3A_9, %get3A_12 : vector<512x128xf32>
    %mul3A = vector.broadcast %rsqrt3A : vector<512x1xf32> to vector<512x128xf32>
    %mul3A_14 = arith.mulf %add3A_13, %mul3A : vector<512x128xf32>
    %get3A_15 = arith.constant 0 : index
    %get3A_16 = arith.constant 0 : index
    %get3A_17 = vector.load %arg6[%get3A_15, %get3A_16] : memref<1x128xf32, #tpu.memory_space<vmem>>, vector<1x128xf32>
    %add3A_18 = vector.broadcast %get3A_17 : vector<1x128xf32> to vector<512x128xf32>
    %add3A_19 = arith.addf %mul3A_14, %add3A_18 : vector<512x128xf32>
    %max3A = arith.constant 0.000000e+00 : f32
    %max3A_20 = vector.broadcast %max3A : f32 to vector<512x128xf32>
    %max3A_21 = arith.maximumf %add3A_19, %max3A_20 : vector<512x128xf32>
    %get3A_22 = arith.constant 0 : index
    %get3A_23 = arith.constant 0 : index
    %get3A_24 = vector.load %arg5[%get3A_22, %get3A_23] : memref<512x1xi32, #tpu.memory_space<vmem>>, vector<512x1xi32>
    %iota3A = tpu.iota {dimensions = array<i32: 1>} : vector<512x64xi32>
    %eq3A_25 = vector.broadcast %get3A_24 : vector<512x1xi32> to vector<512x64xi32>
    %eq3A_26 = arith.cmpi eq, %eq3A_25, %iota3A : vector<512x64xi32>
    %convert_element_type3A_27 = arith.extui %eq3A_26 : vector<512x64xi1> to vector<512x64xi32>
    %convert_element_type3A_28 = arith.sitofp %convert_element_type3A_27 : vector<512x64xi32> to vector<512x64xf32>
    %get3A_29 = arith.constant 0 : index
    %get3A_30 = arith.constant 0 : index
    %get3A_31 = vector.load %arg16[%get3A_29, %get3A_30] : memref<64x128xf32, #tpu.memory_space<vmem>>, vector<64x128xf32>
    %dot_general3A = arith.constant dense<0.000000e+00> : vector<64x128xf32>
    %dot_general3A_32 = tpu.matmul %convert_element_type3A_28, %max3A_21, %dot_general3A {dimension_numbers = #tpu.dot_dimension_numbers<[0], [0], [1], [1], [0, 1, 1, 1], [], []>, transpose_lhs_hint = false} : vector<512x64xf32>, vector<512x128xf32>, vector<64x128xf32> -> vector<64x128xf32>
    %add3A_33 = arith.addf %get3A_31, %dot_general3A_32 : vector<64x128xf32>
    %swap3A = arith.constant 0 : index
    %swap3A_34 = arith.constant 0 : index
    %swap3A_35 = vector.load %arg16[%swap3A, %swap3A_34] : memref<64x128xf32, #tpu.memory_space<vmem>>, vector<64x128xf32>
    tpu.vector_store %arg16[%swap3A, %swap3A_34], %add3A_33 {strides = array<i32>} : memref<64x128xf32, #tpu.memory_space<vmem>>, vector<64x128xf32>,
    %get3A_36 = arith.constant 0 : index
    %get3A_37 = arith.constant 0 : index
    %get3A_38 = vector.load %arg17[%get3A_36, %get3A_37] : memref<64x128xf32, #tpu.memory_space<vmem>>, vector<64x128xf32>
    %reduce_sum3A_39 = arith.constant dense<0.000000e+00> : vector<64xf32>
    %reduce_sum3A_40 = vector.multi_reduction <add>, %convert_element_type3A_28, %reduce_sum3A_39 [0] : vector<512x64xf32> to vector<64xf32>
    %broadcast_in_dim3A_41 = vector.shape_cast %reduce_sum3A_40 : vector<64xf32> to vector<64x1xf32>
    %broadcast_in_dim3A_42 = vector.shape_cast %broadcast_in_dim3A_41 : vector<64x1xf32> to vector<64x1xf32>
    %broadcast_in_dim3A_43 = vector.broadcast %broadcast_in_dim3A_42 : vector<64x1xf32> to vector<64x128xf32>
    %add3A_44 = arith.addf %get3A_38, %broadcast_in_dim3A_43 : vector<64x128xf32>
    %swap3A_45 = arith.constant 0 : index
    %swap3A_46 = arith.constant 0 : index
    %swap3A_47 = vector.load %arg17[%swap3A_45, %swap3A_46] : memref<64x128xf32, #tpu.memory_space<vmem>>, vector<64x128xf32>
    tpu.vector_store %arg17[%swap3A_45, %swap3A_46], %add3A_44 {strides = array<i32>} : memref<64x128xf32, #tpu.memory_space<vmem>>, vector<64x128xf32>,
    %eq3A_48 = arith.constant 19 : i32
    %eq3A_49 = arith.cmpi eq, %arg1, %eq3A_48 : i32
    %convert_element_type3A_50 = arith.extui %eq3A_49 : i1 to i32
    %cond3A_51 = arith.constant 0 : i32
    %cond3A_52 = arith.cmpi ne, %convert_element_type3A_50, %cond3A_51 : i32
    scf.if %cond3A_52 {
      %get3A_53 = arith.constant 0 : index
      %get3A_54 = arith.constant 0 : index
      %get3A_55 = vector.load %arg16[%get3A_53, %get3A_54] : memref<64x128xf32, #tpu.memory_space<vmem>>, vector<64x128xf32>
      %get3A_56 = arith.constant 0 : index
      %get3A_57 = arith.constant 0 : index
      %get3A_58 = vector.load %arg17[%get3A_56, %get3A_57] : memref<64x128xf32, #tpu.memory_space<vmem>>, vector<64x128xf32>
      %max3A_59 = arith.constant 1.000000e+00 : f32
      %max3A_60 = vector.broadcast %max3A_59 : f32 to vector<64x128xf32>
      %max3A_61 = arith.maximumf %get3A_58, %max3A_60 : vector<64x128xf32>
      %div3A = arith.divf %get3A_55, %max3A_61 : vector<64x128xf32>
      %get3A_62 = arith.constant 0 : index
      %get3A_63 = arith.constant 0 : index
      %get3A_64 = vector.load %arg7[%get3A_62, %get3A_63] : memref<128x128xf32, #tpu.memory_space<vmem>>, vector<128x128xf32>
      %dot_general3A_65 = arith.constant dense<0.000000e+00> : vector<64x128xf32>
      %dot_general3A_66 = tpu.matmul %div3A, %get3A_64, %dot_general3A_65 {dimension_numbers = #tpu.dot_dimension_numbers<[1], [0], [0], [1], [0, 0, 1, 1], [], []>, transpose_lhs_hint = false} : vector<64x128xf32>, vector<128x128xf32>, vector<64x128xf32> -> vector<64x128xf32>
      %get3A_67 = arith.constant 0 : index
      %get3A_68 = arith.constant 0 : index
      %get3A_69 = vector.load %arg8[%get3A_67, %get3A_68] : memref<1x128xf32, #tpu.memory_space<vmem>>, vector<1x128xf32>
      %add3A_70 = vector.broadcast %get3A_69 : vector<1x128xf32> to vector<64x128xf32>
      %add3A_71 = arith.addf %dot_general3A_66, %add3A_70 : vector<64x128xf32>
      %eq3A_72 = arith.constant 0 : i32
      %eq3A_73 = arith.cmpi eq, %arg0, %eq3A_72 : i32
      %convert_element_type3A_74 = arith.extui %eq3A_73 : i1 to i32
      %cond3A_75 = arith.constant 0 : i32
      %cond3A_76 = arith.cmpi ne, %convert_element_type3A_74, %cond3A_75 : i32
      scf.if %cond3A_76 {
        %swap3A_82 = arith.constant 0 : index
        %swap3A_83 = arith.constant 0 : index
        %swap3A_84 = vector.load %arg18[%swap3A_82, %swap3A_83] : memref<64x128xf32, #tpu.memory_space<vmem>>, vector<64x128xf32>
        tpu.vector_store %arg18[%swap3A_82, %swap3A_83], %add3A_71 {strides = array<i32>} : memref<64x128xf32, #tpu.memory_space<vmem>>, vector<64x128xf32>,
      } else {
      }
      %eq3A_77 = arith.constant 1 : i32
      %eq3A_78 = arith.cmpi eq, %arg0, %eq3A_77 : i32
      %convert_element_type3A_79 = arith.extui %eq3A_78 : i1 to i32
      %cond3A_80 = arith.constant 0 : i32
      %cond3A_81 = arith.cmpi ne, %convert_element_type3A_79, %cond3A_80 : i32
      scf.if %cond3A_81 {
        %get3A_82 = arith.constant 0 : index
        %get3A_83 = arith.constant 0 : index
        %get3A_84 = vector.load %arg18[%get3A_82, %get3A_83] : memref<64x128xf32, #tpu.memory_space<vmem>>, vector<64x128xf32>
        %add3A_85 = arith.addf %get3A_84, %add3A_71 : vector<64x128xf32>
        %max3A_86 = arith.constant 0.000000e+00 : f32
        %max3A_87 = vector.broadcast %max3A_86 : f32 to vector<64x128xf32>
        %max3A_88 = arith.maximumf %add3A_85, %max3A_87 : vector<64x128xf32>
        %get3A_89 = arith.constant 0 : index
        %get3A_90 = arith.constant 0 : index
        %get3A_91 = vector.load %arg9[%get3A_89, %get3A_90] : memref<128x128xf32, #tpu.memory_space<vmem>>, vector<128x128xf32>
        %dot_general3A_92 = arith.constant dense<0.000000e+00> : vector<64x128xf32>
        %dot_general3A_93 = tpu.matmul %max3A_88, %get3A_91, %dot_general3A_92 {dimension_numbers = #tpu.dot_dimension_numbers<[1], [0], [0], [1], [0, 0, 1, 1], [], []>, transpose_lhs_hint = false} : vector<64x128xf32>, vector<128x128xf32>, vector<64x128xf32> -> vector<64x128xf32>
        %get3A_94 = arith.constant 0 : index
        %get3A_95 = arith.constant 0 : index
        %get3A_96 = vector.load %arg10[%get3A_94, %get3A_95] : memref<1x128xf32, #tpu.memory_space<vmem>>, vector<1x128xf32>
        %add3A_97 = vector.broadcast %get3A_96 : vector<1x128xf32> to vector<64x128xf32>
        %add3A_98 = arith.addf %dot_general3A_93, %add3A_97 : vector<64x128xf32>
        %max3A_99 = arith.constant 0.000000e+00 : f32
        %max3A_100 = vector.broadcast %max3A_99 : f32 to vector<64x128xf32>
        %max3A_101 = arith.maximumf %add3A_98, %max3A_100 : vector<64x128xf32>
        %get3A_102 = arith.constant 0 : index
        %get3A_103 = arith.constant 0 : index
        %get3A_104 = vector.load %arg11[%get3A_102, %get3A_103] : memref<128x128xf32, #tpu.memory_space<vmem>>, vector<128x128xf32>
        %dot_general3A_105 = arith.constant dense<0.000000e+00> : vector<64x128xf32>
        %dot_general3A_106 = tpu.matmul %max3A_101, %get3A_104, %dot_general3A_105 {dimension_numbers = #tpu.dot_dimension_numbers<[1], [0], [0], [1], [0, 0, 1, 1], [], []>, transpose_lhs_hint = false} : vector<64x128xf32>, vector<128x128xf32>, vector<64x128xf32> -> vector<64x128xf32>
        %get3A_107 = arith.constant 0 : index
        %get3A_108 = arith.constant 0 : index
        %get3A_109 = vector.load %arg12[%get3A_107, %get3A_108] : memref<1x128xf32, #tpu.memory_space<vmem>>, vector<1x128xf32>
        %add3A_110 = vector.broadcast %get3A_109 : vector<1x128xf32> to vector<64x128xf32>
        %add3A_111 = arith.addf %dot_general3A_106, %add3A_110 : vector<64x128xf32>
        %max3A_112 = arith.constant 0.000000e+00 : f32
        %max3A_113 = vector.broadcast %max3A_112 : f32 to vector<64x128xf32>
        %max3A_114 = arith.maximumf %add3A_111, %max3A_113 : vector<64x128xf32>
        %get3A_115 = arith.constant 0 : index
        %get3A_116 = arith.constant 0 : index
        %get3A_117 = vector.load %arg13[%get3A_115, %get3A_116] : memref<128x128xf32, #tpu.memory_space<vmem>>, vector<128x128xf32>
        %dot_general3A_118 = arith.constant dense<0.000000e+00> : vector<64x128xf32>
        %dot_general3A_119 = tpu.matmul %max3A_114, %get3A_117, %dot_general3A_118 {dimension_numbers = #tpu.dot_dimension_numbers<[1], [0], [0], [1], [0, 0, 1, 1], [], []>, transpose_lhs_hint = false} : vector<64x128xf32>, vector<128x128xf32>, vector<64x128xf32> -> vector<64x128xf32>
        %get3A_120 = arith.constant 0 : index
        %get3A_121 = arith.constant 0 : index
        %get3A_122 = vector.load %arg14[%get3A_120, %get3A_121] : memref<1x128xf32, #tpu.memory_space<vmem>>, vector<1x128xf32>
        %add3A_123 = vector.broadcast %get3A_122 : vector<1x128xf32> to vector<64x128xf32>
        %add3A_124 = arith.addf %dot_general3A_119, %add3A_123 : vector<64x128xf32>
        %swap3A_125 = arith.constant 0 : index
        %swap3A_126 = arith.constant 0 : index
        %swap3A_127 = vector.load %arg15[%swap3A_125, %swap3A_126] : memref<64x128xf32, #tpu.memory_space<vmem>>, vector<64x128xf32>
        tpu.vector_store %arg15[%swap3A_125, %swap3A_126], %add3A_124 {strides = array<i32>} : memref<64x128xf32, #tpu.memory_space<vmem>>, vector<64x128xf32>,
      } else {
      }
    } else {
    }
    return
  }
  func.func @transform_0(%arg0: i32, %arg1: i32) -> (i32, i32) {
    %mul3A = arith.constant 20 : i32
    %mul3A_0 = arith.muli %arg0, %mul3A : i32
    %add3A = arith.addi %mul3A_0, %arg1 : i32
    %c0_i32 = arith.constant 0 : i32
    %c0_i32_1 = arith.constant 0 : i32
    return %add3A, %c0_i32 : i32, i32
  }
  func.func @transform_1(%arg0: i32, %arg1: i32) -> (i32, i32) {
    %mul3A = arith.constant 20 : i32
    %mul3A_0 = arith.muli %arg0, %mul3A : i32
    %add3A = arith.addi %mul3A_0, %arg1 : i32
    %c0_i32 = arith.constant 0 : i32
    %c0_i32_1 = arith.constant 0 : i32
    return %add3A, %c0_i32 : i32, i32
  }
  func.func @transform_2(%arg0: i32, %arg1: i32) -> (i32, i32) {
    %mul3A = arith.constant 20 : i32
    %mul3A_0 = arith.muli %arg0, %mul3A : i32
    %add3A = arith.addi %mul3A_0, %arg1 : i32
    %c0_i32 = arith.constant 0 : i32
    %c0_i32_1 = arith.constant 0 : i32
    return %add3A, %c0_i32 : i32, i32
  }
  func.func @transform_3(%arg0: i32, %arg1: i32) -> (i32, i32) {
    %mul3A = arith.constant 20 : i32
    %mul3A_0 = arith.muli %arg0, %mul3A : i32
    %add3A = arith.addi %mul3A_0, %arg1 : i32
    %c0_i32 = arith.constant 0 : i32
    %c0_i32_1 = arith.constant 0 : i32
    return %add3A, %c0_i32 : i32, i32
  }
  func.func @transform_4(%arg0: i32, %arg1: i32) -> (i32, i32) {
    %c0_i32 = arith.constant 0 : i32
    %c0_i32_0 = arith.constant 0 : i32
    %c0_i32_1 = arith.constant 0 : i32
    return %c0_i32, %c0_i32_0 : i32, i32
  }
  func.func @transform_5(%arg0: i32, %arg1: i32) -> (i32, i32) {
    %c0_i32 = arith.constant 0 : i32
    %c0_i32_0 = arith.constant 0 : i32
    %c0_i32_1 = arith.constant 0 : i32
    return %c0_i32, %c0_i32_0 : i32, i32
  }
  func.func @transform_6(%arg0: i32, %arg1: i32) -> (i32, i32) {
    %c0_i32 = arith.constant 0 : i32
    %c0_i32_0 = arith.constant 0 : i32
    %c0_i32_1 = arith.constant 0 : i32
    return %c0_i32, %c0_i32_0 : i32, i32
  }
  func.func @transform_7(%arg0: i32, %arg1: i32) -> (i32, i32) {
    %c0_i32 = arith.constant 0 : i32
    %c0_i32_0 = arith.constant 0 : i32
    %c0_i32_1 = arith.constant 0 : i32
    return %c0_i32, %c0_i32_0 : i32, i32
  }
  func.func @transform_8(%arg0: i32, %arg1: i32) -> (i32, i32) {
    %c0_i32 = arith.constant 0 : i32
    %c0_i32_0 = arith.constant 0 : i32
    %c0_i32_1 = arith.constant 0 : i32
    return %c0_i32, %c0_i32_0 : i32, i32
  }
  func.func @transform_9(%arg0: i32, %arg1: i32) -> (i32, i32) {
    %c0_i32 = arith.constant 0 : i32
    %c0_i32_0 = arith.constant 0 : i32
    %c0_i32_1 = arith.constant 0 : i32
    return %c0_i32, %c0_i32_0 : i32, i32
  }
  func.func @transform_10(%arg0: i32, %arg1: i32) -> (i32, i32) {
    %c0_i32 = arith.constant 0 : i32
    %c0_i32_0 = arith.constant 0 : i32
    %c0_i32_1 = arith.constant 0 : i32
    return %c0_i32, %c0_i32_0 : i32, i32
  }
  func.func @transform_11(%arg0: i32, %arg1: i32) -> (i32, i32) {
    %c0_i32 = arith.constant 0 : i32
    %c0_i32_0 = arith.constant 0 : i32
    %c0_i32_1 = arith.constant 0 : i32
    return %c0_i32, %c0_i32_0 : i32, i32
  }
  func.func @transform_12(%arg0: i32, %arg1: i32) -> (i32, i32) {
    %c0_i32 = arith.constant 0 : i32
    %c0_i32_0 = arith.constant 0 : i32
    %c0_i32_1 = arith.constant 0 : i32
    return %c0_i32, %c0_i32_0 : i32, i32
  }
  func.func @transform_13(%arg0: i32, %arg1: i32) -> (i32, i32) {
    %c0_i32 = arith.constant 0 : i32
    %c0_i32_0 = arith.constant 0 : i32
    %c0_i32_1 = arith.constant 0 : i32
    return %c0_i32, %c0_i32_0 : i32, i32
  }
}

</mosaic_0001>

<sc_bundles>
// kernel: kernel.11.cloned.1.call-start
scs
__scs_entry_jumppad:
0x0: {  	(pc) =	sbr.rel $0x88, $3  }
0x1: {  	(tag) =	ssettag $0x0;
	lr =	simm.s32 $0x1  }
0x2: {  	[smem:$0x3F8E] =	sst lr;
	_ =	strace $0xD0000000  }
0x3: {  	_ = 	snop  }
0x4: {  	_ = 	snop  }
0x5: {  	_ = 	snop  }
0x6: {  	_ = 	snop  }
0x7: {  	_ = 	snop  }
__scs_overlays_trampoline_lowered:
0x8: {  	[smem:$0x3F9D] =	sst s0  }
0x9: {  	[smem:$0x3F9E] =	sst s1  }
0xa: {  	[smem:$0x3F9F] =	sst s2  }
0xb: {  	[smem:$0x3FA0] =	sst s3  }
0xc: {  	[smem:$0x3FA1] =	sst s4  }
0xd: {  	[smem:$0x3FA2] =	sst s5  }
0xe: {  	[smem:$0x3FA3] =	sst s6  }
0xf: {  	[smem:$0x3FA4] =	sst s7  }
0x10: {  	[smem:$0x3FA5] =	sst s8  }
0x11: {  	[smem:$0x3FA6] =	sst s9;
	s0 =	simm.s32 @!p0 $0x0  }
0x12: {  	s1 =	sld [smem:$0x3F8C];
	s0 =	simm.s32 @p0 $0x1  }
0x13: {  	[smem:$0x3FA7] =	sst s0;
	s0 =	simm.s32 @!p1 $0x0  }
0x14: {  	s2 =	sld [smem:$0x3F8B];
	s0 =	simm.s32 @p1 $0x1  }
0x15: {  	[smem:$0x3FA8] =	sst s0;
	s0 =	simm.s32 @!p2 $0x0  }
0x16: {  	s3 =	sld [smem:$0x3FDB];
	s0 =	simm.s32 @p2 $0x1  }
0x17: {  	s4 =	simm.s32 $0x1BF5;
	[smem:$0x3FAA] =	sst s0  }
0x18: {  	s0 =	sld [smem:$0x3F8D];
	_ =	swait.ge [sflag:s4], $0x0  }
0x19: {  	s7 =	sld [smem:$0x3F8E]  }
0x1a: {  	s8 =	sadd.s32 $0xFFFFE003, lr  }
0x1b: {  	s9 =	sadd.s32 $0xFFFFFEF7, lr;
	s5 =	simm.s32 $0xFFFFFFFF;
	p2 =	slt.u32 s8, $0xFFFFF086  }
0x1c: {  	p1 =	slt.u32 s9, $0xF7A;
	s5 =	simm.s32 @!p2 $0x0  }
0x1d: {  	s5 =	simm.s32 @p1 $0x1;
	p0 =	seq.s32 s7, s2  }
0x1e: {  	s7 =	smul.u32 @!p0 $0xF7A, s2;
	p2 =	seq.s32 @!p0 s5, $0x0  }
0x1f: {  	s9 =	smul.u32 $0xF7A, s1;
	s8 =	simm.s32 @!p0 $0x1BF5;
	p2 =	por !p2, p0  }
0x20: {  	[sflag:s8] =	ssyncset.s32 @!p0 $0xFFFFF086;
	s6 =	sadd.s32 @!p0 s3, s7;
	s7 =	simm.s32 @!p0 $0x108  }
0x21: {  	s3 =	sadd.s32 s3, s9;
	s6 =	sadd.s32 @!p0 $0x88, s6;
	s7 =	simm.s32 @p2 $0x1082  }
0x22: {  	[simem:s7], [sflag:s8] =	dma.local @!p0 [hbm:s6], $0xF7A  }
0x23: {  	s9 =	sor.u32 $0xD0000000, s2;
	s6 =	simm.s32 $0x108;
	_ =	swait.ge @!p0 [sflag:s8], $0x0  }
0x24: {  	s3 =	sadd.s32 $0x88, s3;
	s6 =	simm.s32 @!p1 $0x1082;
	[sflag:s4] =	ssyncset.s32 $0xFFFFF086  }
0x25: {  	[simem:s6], [sflag:s4] =	dma.local [hbm:s3], $0xF7A  }
0x26: {  	[smem:$0x3F8E] =	sst s1;
	(tag) =	ssettag s2;
	_ =	strace s9  }
0x27: {  	s1 =	sld [smem:$0x3F9E]  }
0x28: {  	s2 =	sld [smem:$0x3F9F]  }
0x29: {  	s4 =	sld [smem:$0x3FA1]  }
0x2a: {  	p0 =	seq.s32 s5, $0x0;
	s5 =	sld [smem:$0x3FA2]  }
0x2b: {  	s6 =	sld [smem:$0x3FA3]  }
0x2c: {  	s7 =	sld [smem:$0x3FA4]  }
0x2d: {  	s3 =	simm.s32 $0x108;
	s8 =	sld [smem:$0x3FA5]  }
0x2e: {  	s3 =	simm.s32 @!p0 $0x1082;
	s9 =	sld [smem:$0x3FA6]  }
0x2f: {  	lr =	sadd.s32 s0, s3;
	s0 =	sld [smem:$0x3F9D]  }
0x30: {  	s3 =	sld [smem:$0x3FA0]  }
0x31: {  	[smem:$0x3FA9] =	sst s10  }
0x32: {  	s10 =	sld [smem:$0x3FA7];
	_ =	sdelay $0x3  }
0x33: {  	p0 =	seq.s32 s10, $0x1;
	s10 =	sld [smem:$0x3FA9];
	_ =	sdelay $0x3  }
0x34: {  	[smem:$0x3FA9] =	sst s10  }
0x35: {  	s10 =	sld [smem:$0x3FA8];
	_ =	sdelay $0x3  }
0x36: {  	p1 =	seq.s32 s10, $0x1;
	s10 =	sld [smem:$0x3FA9];
	_ =	sdelay $0x3  }
0x37: {  	[smem:$0x3FA9] =	sst s10  }
0x38: {  	s10 =	sld [smem:$0x3FAA]  }
0x39: {  	_ = 	snop;
	(pc) =	sbr.ind lr, $3  }
0x3a: {  	_ = 	snop  }
0x3b: {  	_ = 	snop  }
0x3c: {  	p2 =	seq.s32 s10, $0x1;
	s10 =	sld [smem:$0x3FA9]  }
0x3d: {  	_ =	shalt  }
0x3e: {  	_ =	shalt  }
0x3f: {  	_ =	shalt  }
0x40: {  	_ =	shalt  }
0x41: {  	_ =	shalt  }
0x42: {  	_ =	shalt  }
0x43: {  	_ =	shalt  }
0x44: {  	_ =	shalt  }
0x45: {  	_ =	shalt  }
0x46: {  	_ =	shalt  }
0x47: {  	_ =	shalt  }
0x48: {  	_ =	shalt  }
0x49: {  	_ =	shalt  }
0x4a: {  	_ =	shalt  }
0x4b: {  	_ =	shalt  }
0x4c: {  	_ =	shalt  }
0x4d: {  	_ =	shalt  }
0x4e: {  	_ =	shalt  }
0x4f: {  	_ =	shalt  }
0x50: {  	_ =	shalt  }
0x51: {  	_ =	shalt  }
0x52: {  	_ =	shalt  }
0x53: {  	_ =	shalt  }
0x54: {  	_ =	shalt  }
0x55: {  	_ =	shalt  }
0x56: {  	_ =	shalt  }
0x57: {  	_ =	shalt  }
0x58: {  	_ =	shalt  }
0x59: {  	_ =	shalt  }
0x5a: {  	_ =	shalt  }
0x5b: {  	_ =	shalt  }
0x5c: {  	_ =	shalt  }
0x5d: {  	_ =	shalt  }
0x5e: {  	_ =	shalt  }
0x5f: {  	_ =	shalt  }
0x60: {  	_ =	shalt  }
0x61: {  	_ =	shalt  }
0x62: {  	_ =	shalt  }
0x63: {  	_ =	shalt  }
0x64: {  	_ =	shalt  }
0x65: {  	_ =	shalt  }
0x66: {  	_ =	shalt  }
0x67: {  	_ =	shalt  }
0x68: {  	_ =	shalt  }
0x69: {  	_ =	shalt  }
0x6a: {  	_ =	shalt  }
0x6b: {  	_ =	shalt  }
0x6c: {  	_ =	shalt  }
0x6d: {  	_ =	shalt  }
0x6e: {  	_ =	shalt  }
0x6f: {  	_ =	shalt  }
0x70: {  	_ =	shalt  }
0x71: {  	_ =	shalt  }
0x72: {  	_ =	shalt  }
0x73: {  	_ =	shalt  }
0x74: {  	_ =	shalt  }
0x75: {  	_ =	shalt  }
0x76: {  	_ =	shalt  }
0x77: {  	_ =	shalt  }
0x78: {  	_ =	shalt  }
0x79: {  	_ =	shalt  }
0x7a: {  	_ =	shalt  }
0x7b: {  	_ =	shalt  }
0x7c: {  	_ =	shalt  }
0x7d: {  	_ =	shalt  }
0x7e: {  	_ =	shalt  }
0x7f: {  	_ =	shalt  }
0x80: {  	_ =	shalt  }
0x81: {  	_ =	shalt  }
0x82: {  	_ =	shalt  }
0x83: {  	_ =	shalt  }
0x84: {  	_ =	shalt  }
0x85: {  	_ =	shalt  }
0x86: {  	_ =	shalt  }
0x87: {  	_ =	shalt  }
.Lfunc_end0:
.L_simem_size_0:
called_computation.1_lowered:
.L_overlay_start_0:
0x88: {  	s2 =	sld [smem:$0x3FD9]  }
0x89: {  	s3 =	sld [smem:$0x3FFE];
	_ =	sdelay $0x1  }
0x8a: {  	s1 =	srdreg.scid  }
0x8b: {  	s0 =	sand.u32 $0x1, s1  }
0x8c: {  	s16 =	sshll.u32 s0, $0xA;
	s2 =	sadd.s32 s3, s2  }
0x8d: {  	s2 =	sadd.s32 s2, s16  }
0x8e: {  	[smem:$0x3FB5] =	sst s2  }
0x8f: {  	_ = 	snop  }
0x90: {  	(tm) =	ssettm $0x1  }
0x91: {  	s17 =	sld [smem:$0x3FFB];
	_ =	sdelay $0x3  }
0x92: {  	_ =	strace s17  }
0x93: {  	s2 =	sld [smem:$0x3FFC];
	_ =	sdelay $0x3  }
0x94: {  	_ =	strace s2  }
0x95: {  	s2 =	sld [smem:$0x3FFD];
	_ =	sdelay $0x3  }
0x96: {  	_ =	strace s2  }
0x97: {  	_ =	strace $0x8FFFFFFF  }
0x98: {  	s18 =	sld [smem:$0x3FDB];
	_ =	sdelay $0x1  }
0x99: {  	s19 =	simm.s32 $_scs_section_size  }
0x9a: {  	s4 =	simm.s32 $_size__tile_overlayer_lowered;
	s5 =	simm.s32 $_tile_overlayer_lowered  }
0x9b: {  	s22 =	simm.s32 $0x1BFF;
	s21 =	sshll.u32 s5, $0x1;
	s2 =	sadd.s32 s19, s18  }
0x9c: {  	s6 =	simm.s32 $0x0;
	s20 =	sshll.u32 s4, $0x1;
	s4 =	sadd.s32 s21, s2  }
0x9d: {  	[timem:s6], [sflag:s22] =	dma.local [hbm:s4], s20  }
0x9e: {  	_ =	swait.ge [sflag:s22], s20  }
0x9f: {  	s3 =	ssub.s32 $0x0, s20;
	[sflag:s22] =	ssyncset.done $0x0  }
0xa0: {  	[sflag:s22] =	ssyncadd.s32 s3;
	_ =	sdelay $0x1  }
0xa1: {  	s23 =	simm.s32 $0x1B8B  }
0xa2: {  	_ =	swait.ge [sflag:s23], $0x1  }
0xa3: {  	[sflag:s23] =	ssyncset.done $0x0  }
0xa4: {  	s25 =	simm.s32 $0x1B8E;
	s24 =	sld [smem:$0x3FFE];
	[sflag:s23] =	ssyncadd.s32 $0xFFFFFFFF  }
0xa5: {  	s26 =	simm.s32 $execute0_lowered;
	[smem:$0x3FD2] =	sst s25  }
0xa6: {  	s4 =	sshll.u32 s26, $0x1;
	_ =	strace $0x80000049;
	[dreg:$0x1] =	wrdreg $0xFFFFFFFF  }
0xa7: {  	s28 =	simm.s32 $_size_execute0_lowered;
	s2 =	sadd.s32 s2, s4;
	[dreg:$0x0] =	wrdreg $0x0  }
0xa8: {  	s4 =	sshll.u32 s28, $0x1;
	[dreg:$0x2] =	wrdreg s2  }
0xa9: {  	[dreg:$0x3] =	wrdreg s4  }
0xaa: {  	[dreg:$0x4] =	wrdreg $0xC0  }
0xab: {  	_ =	task [dreg:s6], $0x5FFFF  }
0xac: {  	[dreg:$0x1] =	wrdreg $0xFFFFFFFF  }
0xad: {  	[dreg:$0x0] =	wrdreg $0x60  }
0xae: {  	[dreg:$0x2] =	wrdreg s24  }
0xaf: {  	[dreg:$0x3] =	wrdreg $0xA0000  }
0xb0: {  	[dreg:$0x4] =	wrdreg $0x9  }
0xb1: {  	_ =	task.clear_ibuf [dreg:s6], $0x5FFFF;
	_ =	strace $0x90000049  }
0xb2: {  	s29 =	simm.s32 $0x9;
	_ =	strace $0x8000004B  }
0xb3: {  	_ =	swait.ge [sflag:s29], $0x1  }
0xb4: {  	[sflag:s29] =	ssyncadd.s32 $0xFFFFFFFF  }
0xb5: {  	_ =	strace $0x9000004B  }
0xb6: {  	_ =	sfence  }
0xb7: {  	s30 =	sld [smem:$0x0];
	_ =	sdelay $0x2  }
0xb8: {  	s31 =	sshll.u32 s1, $0xD;
	s1 =	sshrl.u32 s1, $0x2  }
0xb9: {  	s3 =	sand.u32 $0x4000, s31;
	s1 =	sadd.s32 s1, s30  }
0xba: {  	s0 =	sor.u32 s3, s0;
	s1 =	sshll.u32 s1, $0x11  }
0xbb: {  	s0 =	sor.u32 s1, s0  }
0xbc: {  	s0 =	sadd.s32 $0x8F2B, s0  }
0xbd: {  	[sflag:s0] =	ssyncadd.remote.s32 $0x1  }
0xbe: {  	_ =	sfence.sel $0xFFFF  }
0xbf: {  	[dreg:$0x0] =	wrdreg $0xFFFFFFFF;
	(pc) =	sbr.abs _section_cstart, $3  }
0xc0: {  	[dreg:$0x1] =	wrdreg $0xFFFFFFFF  }
0xc1: {  	_ =	task.clear_ibuf [dreg:s6], $0x2FFFF;
	_ =	strace $0x9FFFFFFF  }
0xc2: {  	(tm) =	ssettm $0x7FFFFFFF  }
0xc3: {  	_ =	shalt  }
tec
execute0_lowered:
.L_overlay_start_1:
0x0: {  	(tag) =	ssettag $0x1  }
0x1: {  	s0 =	rddreg [dreg:$0x0]  }
0x2: {  	s2 =	rddreg [dreg:$0x1];
	s3 =	simm.s32 $0x0  }
0x3: {  	s1 =	srdreg.scid;
	s13 =	stileid.u32;
	s14 =	simm.s32 $0x1000  }
0x4: {  	s15 =	simm.s32 $0x40;
	s16 =	simm.s32 $0x2000;
	s17 =	simm.s32 $0x4000  }
0x5: {  	s18 =	simm.s32 $0x80;
	s19 =	simm.s32 $0x6000;
	s20 =	simm.s32 $0xC0  }
0x6: {  	s21 =	simm.s32 $0x8000;
	s22 =	simm.s32 $0x1;
	s23 =	simm.s32 $0x2  }
0x7: {  	s28 =	simm.s32 $0x6;
	s29 =	simm.s32 $0x1F00;
	s30 =	simm.s32 $0x1F80  }
0x8: {  	[smem:$0x7FF] =	sst s3;
	s1 =	sand.u32 $0x1, s1;
	s7 =	smul.u32 $0x2800, s13  }
0x9: {  	s4 =	sadd.s32 $0x16E00, s0;
	s5 =	sadd.s32 $0x71400, s0;
	s6 =	sadd.s32 $0x2E00, s0  }
0xa: {  	s11 =	smul.u32 $0x50000, s13;
	s24 =	sadd.s32 $0x66E00, s0;
	s26 =	sshll.u32 s13, $0x6  }
0xb: {  	_ =	strace $0x8000004A;
	s8 =	smul.u32 $0x28000, s1;
	s9 =	ssub.s32 $0x2, s1  }
0xc: {  	[dreg:$0x3] =	wrdreg s24;
	s1 =	sshll.u32 s1, $0x4;
	s24 =	simm.s32 $0x3  }
0xd: {  	s10 =	sshrl.u32 s9, $0x1;
	s25 =	sshrl.u32 s11, $0x2;
	s1 =	sor.u32 s13, s1  }
0xe: {  	s13 =	simm.s32 $0x7;
	s8 =	sadd.s32 s7, s8;
	s12 =	ssub.s32 s9, s10  }
0xf: {  	s31 =	sadd.s32 s25, s2;
	s9 =	smul.u32 $0x5000, s1;
	s25 =	simm.s32 $0x4  }
0x10: {  	s0 =	sadd.s32 s8, s0;
	s8 =	sor.u32 $0x1C07, s26;
	s11 =	smax.u32 s12, $0x1  }
0x11: {  	s12 =	sshrl.u32 s31, $0x3;
	s26 =	simm.s32 $0x5;
	s10 =	sadd.s32 $0xD5400, s0  }
.LBB2_1:
0x12: {  	s0 =	rddreg [dreg:$0x3]  }
0x13: {  	[spmem:s12], [sflag:s8] =	dma.local [hbm:s0], $0x2800  }
0x14: {  	_ =	swait.ge [sflag:s13], $0x2800  }
0x15: {  	[sflag:s13] =	ssyncset.done $0x0  }
0x16: {  	[sflag:s13] =	ssyncadd.s32 $0xFFFFD800  }
0x17: {  	s31 =	simm.s32 $0x0;
	[bflag:$0x0] =	sbarrier.arrive $0xFFFF  }
.LBB2_2:
0x18: {  	s0 =	sshll.u32 s31, $0xC  }
0x19: {  	s0 =	sadd.s32 s9, s0  }
0x1a: {  	s0 =	sshrl.u32 s0, $0x3  }
0x1b: {  	s7 =	simm.s32 $0x0;
	s1 =	sadd.s32 s5, s0  }
0x1c: {  	[tilespmem:s7], [sflag:$0x7] =	stream.linear.gather [hbm4b:s1+s7], $0x1000, $0x38;
	[tilespmem:$0x1E000] =	vst v63  }
0x1d: {  	_ =	swait.ge [sflag:s13], $0x1000  }
0x1e: {  	[sflag:s13] =	ssyncset.done $0x0  }
0x1f: {  	s0 =	sadd.s32 s6, s0;
	[sflag:s13] =	ssyncadd.s32 $0xFFFFF000  }
0x20: {  	[tilespmem:s14], [sflag:$0x7] =	stream.linear.gather [hbm4b:s0+s7], $0x1000, $0x38;
	[tilespmem:$0x1E000] =	vst v63  }
0x21: {  	_ =	swait.ge [sflag:s13], $0x1000  }
0x22: {  	[sflag:s13] =	ssyncset.done $0x0  }
0x23: {  	[sflag:s13] =	ssyncadd.s32 $0xFFFFF000  }
0x24: {  	[tilespmem:s16], [sflag:$0x1] =	stream.indirect.gather [hbm4b:s4+s15], $0x80, s7, s15, $0xb8;
	[tilespmem:$0x1E000] =	vst v63  }
0x25: {  	_ = 	snop  }
0x26: {  	[tilespmem:s17], [sflag:$0x2] =	stream.indirect.gather [hbm4b:s4+s15], $0x80, s15, s15, $0xb8;
	[tilespmem:$0x1E000] =	vst v63  }
0x27: {  	_ = 	snop  }
0x28: {  	[tilespmem:s19], [sflag:$0x3] =	stream.indirect.gather [hbm4b:s4+s15], $0x80, s18, s15, $0xb8;
	[tilespmem:$0x1E000] =	vst v63  }
0x29: {  	_ = 	snop  }
0x2a: {  	[tilespmem:s21], [sflag:$0x4] =	stream.indirect.gather [hbm4b:s4+s15], $0x80, s20, s15, $0xb8;
	[tilespmem:$0x1E000] =	vst v63  }
0x2b: {  	_ =	swait.ge [sflag:s22], $0x2000  }
0x2c: {  	[sflag:s22] =	ssyncset.done $0x0  }
0x2d: {  	[sflag:s22] =	ssyncadd.s32 $0xFFFFE000  }
0x2e: {  	_ =	swait.ge [sflag:s23], $0x2000  }
0x2f: {  	[sflag:s23] =	ssyncset.done $0x0  }
0x30: {  	s7 =	simm.s32 $0x1000;
	[sflag:s23] =	ssyncadd.s32 $0xFFFFE000  }
0x31: {  	[spmem:s2] =	stream.indirect.scatter.add.f32 [tilespmem:s16], [sflag:$0x5], $0x80, s7, s18, $0xb8;
	[tilespmem:$0x1E000] =	vst v63  }
0x32: {  	_ =	swait.ge [sflag:s24], $0x2000  }
0x33: {  	[sflag:s24] =	ssyncset.done $0x0  }
0x34: {  	[sflag:s24] =	ssyncadd.s32 $0xFFFFE000  }
0x35: {  	_ =	swait.ge [sflag:s25], $0x2000  }
0x36: {  	[sflag:s25] =	ssyncset.done $0x0  }
0x37: {  	s1 =	simm.s32 $0x1080;
	[sflag:s25] =	ssyncadd.s32 $0xFFFFE000  }
0x38: {  	[spmem:s2] =	stream.indirect.scatter.add.f32 [tilespmem:s19], [sflag:$0x6], $0x80, s1, s18, $0xb8;
	[tilespmem:$0x1E000] =	vst v63  }
0x39: {  	_ =	swait.ge [sflag:s26], $0x4000  }
0x3a: {  	[sflag:s26] =	ssyncset.done $0x0  }
0x3b: {  	s7 =	simm.s32 $0x100;
	[sflag:s26] =	ssyncadd.s32 $0xFFFFC000  }
0x3c: {  	[tilespmem:s16], [sflag:$0x1] =	stream.indirect.gather [hbm4b:s4+s15], $0x80, s7, s15, $0xb8;
	[tilespmem:$0x1E000] =	vst v63  }
0x3d: {  	s1 =	simm.s32 $0x140  }
0x3e: {  	[tilespmem:s17], [sflag:$0x2] =	stream.indirect.gather [hbm4b:s4+s15], $0x80, s1, s15, $0xb8;
	[tilespmem:$0x1E000] =	vst v63  }
0x3f: {  	_ =	swait.ge [sflag:s28], $0x4000  }
0x40: {  	s0 =	simm.s32 $0x400;
	[sflag:s28] =	ssyncset.done $0x0  }
0x41: {  	s7 =	simm.s32 $0x180;
	s1 =	simm.s32 $0x1C0;
	[sflag:s28] =	ssyncadd.s32 $0xFFFFC000  }
0x42: {  	[tilespmem:s19], [sflag:$0x3] =	stream.indirect.gather [hbm4b:s4+s15], $0x80, s7, s15, $0xb8;
	[tilespmem:$0x1E000] =	vst v63  }
.LBB2_3:
0x43: {  	[tilespmem:s21], [sflag:$0x4] =	stream.indirect.gather [hbm4b:s4+s15], $0x80, s1, s15, $0xb8;
	[tilespmem:$0x1E000] =	vst v63  }
0x44: {  	s1 =	smov.u32 s0  }
0x45: {  	p0 =	sne.s32 s0, $0x3800;
	s0 =	sadd.s32 $0x400, s0;
	_ =	swait.ge [sflag:s22], $0x2000  }
0x46: {  	[sflag:s22] =	ssyncset.done $0x0  }
0x47: {  	[sflag:s22] =	ssyncadd.s32 $0xFFFFE000  }
0x48: {  	_ =	swait.ge [sflag:s23], $0x2000  }
0x49: {  	s1 =	sshra.s32 s1, $0x2;
	[sflag:s23] =	ssyncset.done $0x0  }
0x4a: {  	s7 =	sadd.s32 $0x1000, s1;
	[sflag:s23] =	ssyncadd.s32 $0xFFFFE000  }
0x4b: {  	[spmem:s2] =	stream.indirect.scatter.add.f32 [tilespmem:s16], [sflag:$0x5], $0x80, s7, s18, $0xb8;
	[tilespmem:$0x1E000] =	vst v63  }
0x4c: {  	_ =	swait.ge [sflag:s24], $0x2000  }
0x4d: {  	[sflag:s24] =	ssyncset.done $0x0  }
0x4e: {  	[sflag:s24] =	ssyncadd.s32 $0xFFFFE000  }
0x4f: {  	_ =	swait.ge [sflag:s25], $0x2000  }
0x50: {  	[sflag:s25] =	ssyncset.done $0x0  }
0x51: {  	s7 =	sadd.s32 $0x1080, s1;
	[sflag:s25] =	ssyncadd.s32 $0xFFFFE000  }
0x52: {  	[spmem:s2] =	stream.indirect.scatter.add.f32 [tilespmem:s19], [sflag:$0x6], $0x80, s7, s18, $0xb8;
	[tilespmem:$0x1E000] =	vst v63  }
0x53: {  	_ =	swait.ge [sflag:s26], $0x4000  }
0x54: {  	[sflag:s26] =	ssyncset.done $0x0  }
0x55: {  	s7 =	sadd.s32 $0x100, s1;
	[sflag:s26] =	ssyncadd.s32 $0xFFFFC000  }
0x56: {  	[tilespmem:s16], [sflag:$0x1] =	stream.indirect.gather [hbm4b:s4+s15], $0x80, s7, s15, $0xb8;
	[tilespmem:$0x1E000] =	vst v63  }
0x57: {  	s7 =	sadd.s32 $0x140, s1  }
0x58: {  	[tilespmem:s17], [sflag:$0x2] =	stream.indirect.gather [hbm4b:s4+s15], $0x80, s7, s15, $0xb8;
	[tilespmem:$0x1E000] =	vst v63  }
.Ltmp0:
0x59: {  	_ =	swait.ge [sflag:s28], $0x4000;
	(pc) =	sbr.rel @p0 .LBB2_3-.Ltmp0, $4  }
0x5a: {  	[sflag:s28] =	ssyncset.done $0x0  }
0x5b: {  	s7 =	sadd.s32 $0x180, s1;
	[sflag:s28] =	ssyncadd.s32 $0xFFFFC000  }
0x5c: {  	[tilespmem:s19], [sflag:$0x3] =	stream.indirect.gather [hbm4b:s4+s15], $0x80, s7, s15, $0xb8;
	[tilespmem:$0x1E000] =	vst v63  }
0x5d: {  	s1 =	sadd.s32 $0x1C0, s1  }
0x5e: {  	[tilespmem:s21], [sflag:$0x4] =	stream.indirect.gather [hbm4b:s4+s15], $0x80, s1, s15, $0xb8;
	[tilespmem:$0x1E000] =	vst v63  }
0x5f: {  	_ =	swait.ge [sflag:s22], $0x2000  }
0x60: {  	[sflag:s22] =	ssyncset.done $0x0  }
0x61: {  	[sflag:s22] =	ssyncadd.s32 $0xFFFFE000  }
0x62: {  	_ =	swait.ge [sflag:s23], $0x2000  }
0x63: {  	[sflag:s23] =	ssyncset.done $0x0  }
0x64: {  	[sflag:s23] =	ssyncadd.s32 $0xFFFFE000  }
0x65: {  	[spmem:s2] =	stream.indirect.scatter.add.f32 [tilespmem:s16], [sflag:$0x5], $0x80, s29, s18, $0xb8;
	[tilespmem:$0x1E000] =	vst v63  }
0x66: {  	_ =	swait.ge [sflag:s24], $0x2000  }
0x67: {  	[sflag:s24] =	ssyncset.done $0x0  }
0x68: {  	[sflag:s24] =	ssyncadd.s32 $0xFFFFE000  }
0x69: {  	_ =	swait.ge [sflag:s25], $0x2000  }
0x6a: {  	[sflag:s25] =	ssyncset.done $0x0  }
0x6b: {  	s31 =	sadd.s32 $0x1, s31;
	[sflag:s25] =	ssyncadd.s32 $0xFFFFE000  }
0x6c: {  	[spmem:s2] =	stream.indirect.scatter.add.f32 [tilespmem:s19], [sflag:$0x6], $0x80, s30, s18, $0xb8;
	[tilespmem:$0x1E000] =	vst v63  }
0x6d: {  	p0 =	sne.s32 s31, $0x5;
	_ =	swait.ge [sflag:s26], $0x4000  }
.Ltmp1:
0x6e: {  	[sflag:s26] =	ssyncset.done $0x0;
	(pc) =	sbr.rel @p0 .LBB2_2-.Ltmp1, $4  }
0x6f: {  	[sflag:s26] =	ssyncadd.s32 $0xFFFFC000  }
0x70: {  	_ =	swait.ge [sflag:s28], $0x4000  }
0x71: {  	[sflag:s28] =	ssyncset.done $0x0  }
0x72: {  	[sflag:s28] =	ssyncadd.s32 $0xFFFFC000  }
0x73: {  	s3 =	sadd.s32 $0x1, s3  }
0x74: {  	p0 =	sne.s32 s3, s11  }
.Ltmp2:
0x75: {  	[bflag:$0x0] =	sbarrier.arrive $0xFFFF;
	(pc) =	sbr.rel @p0 .LBB2_1-.Ltmp2, $4  }
0x76: {  	[hbm:s10], [sflag:s8] =	dma.local [spmem:s12], $0x2800  }
0x77: {  	_ =	swait.ge [sflag:s13], $0x2800  }
0x78: {  	[sflag:s13] =	ssyncset.done $0x0  }
0x79: {  	[sflag:s13] =	ssyncadd.s32 $0xFFFFD800  }
0x7a: {  	_ =	sfence.sel $0x180000  }
0x7b: {  	[bflag:$0x0] =	sbarrier.arrive $0xFFFF  }
0x7c: {  	_ =	strace $0x9000004A  }
0x7d: {  	s0 =	stileid.u32;
	[bflag:$0x2] =	sbarrier.arrive $0xFFFF  }
0x7e: {  	p0 =	sne.s32 s0, $0x0;
	s0 =	rddreg [dreg:$0x2]  }
0x7f: {  	s0 =	sadd.s32 @!p0 $0x100000, s0  }
0x80: {  	[sflag:s0] =	ssyncadd.tile.s32 @!p0 $0x1;
	_ =	shalt  }
.Lfunc_end2:
_tile_overlayer_lowered:
.L_overlay_start_2:
0x81: {  	(tag) =	ssettag $0x2  }
0x82: {  	s0 =	rddreg [dreg:$0x0];
	s2 =	stileid.u32  }
0x83: {  	s1 =	rddreg [dreg:$0x1];
	p0 =	sne.s32 s2, $0x0  }
0x84: {  	s3 =	rddreg [dreg:$0x2];
	[bflag:$0x3] =	sbarrier.arrive $0xFFFF;
	s2 =	simm.s32 @!p0 $0x1C07  }
0x85: {  	[timem:s3], [sflag:s2] =	dma.local @!p0 [hbm:s0], s1  }
0x86: {  	s0 =	simm.s32 @!p0 $0x7  }
0x87: {  	_ =	swait.ge @!p0 [sflag:s0], s1  }
0x88: {  	s1 =	ssub.s32 @!p0 $0x0, s1;
	[sflag:s0] =	ssyncset.done @!p0 $0x0  }
0x89: {  	[sflag:s0] =	ssyncadd.s32 @!p0 s1  }
0x8a: {  	[bflag:$0x3] =	sbarrier.arrive $0xFFFF  }
0x8b: {  	_ =	shalt  }

// kernel: kernel.14.cloned.1.call-start
scs
__scs_entry_jumppad:
0x0: {  	(pc) =	sbr.rel $0x88, $3  }
0x1: {  	(tag) =	ssettag $0x0;
	lr =	simm.s32 $0x1  }
0x2: {  	[smem:$0x3F8E] =	sst lr;
	_ =	strace $0xD0000000  }
0x3: {  	_ = 	snop  }
0x4: {  	_ = 	snop  }
0x5: {  	_ = 	snop  }
0x6: {  	_ = 	snop  }
0x7: {  	_ = 	snop  }
__scs_overlays_trampoline_lowered:
0x8: {  	[smem:$0x3F9D] =	sst s0  }
0x9: {  	[smem:$0x3F9E] =	sst s1  }
0xa: {  	[smem:$0x3F9F] =	sst s2  }
0xb: {  	[smem:$0x3FA0] =	sst s3  }
0xc: {  	[smem:$0x3FA1] =	sst s4  }
0xd: {  	[smem:$0x3FA2] =	sst s5  }
0xe: {  	[smem:$0x3FA3] =	sst s6  }
0xf: {  	[smem:$0x3FA4] =	sst s7  }
0x10: {  	[smem:$0x3FA5] =	sst s8  }
0x11: {  	[smem:$0x3FA6] =	sst s9;
	s0 =	simm.s32 @!p0 $0x0  }
0x12: {  	s1 =	sld [smem:$0x3F8C];
	s0 =	simm.s32 @p0 $0x1  }
0x13: {  	[smem:$0x3FA7] =	sst s0;
	s0 =	simm.s32 @!p1 $0x0  }
0x14: {  	s2 =	sld [smem:$0x3F8B];
	s0 =	simm.s32 @p1 $0x1  }
0x15: {  	[smem:$0x3FA8] =	sst s0;
	s0 =	simm.s32 @!p2 $0x0  }
0x16: {  	s3 =	sld [smem:$0x3FDB];
	s0 =	simm.s32 @p2 $0x1  }
0x17: {  	s4 =	simm.s32 $0x1BF5;
	[smem:$0x3FAA] =	sst s0  }
0x18: {  	s0 =	sld [smem:$0x3F8D];
	_ =	swait.ge [sflag:s4], $0x0  }
0x19: {  	s7 =	sld [smem:$0x3F8E]  }
0x1a: {  	s8 =	sadd.s32 $0xFFFFE003, lr  }
0x1b: {  	s9 =	sadd.s32 $0xFFFFFEF7, lr;
	s5 =	simm.s32 $0xFFFFFFFF;
	p2 =	slt.u32 s8, $0xFFFFF086  }
0x1c: {  	p1 =	slt.u32 s9, $0xF7A;
	s5 =	simm.s32 @!p2 $0x0  }
0x1d: {  	s5 =	simm.s32 @p1 $0x1;
	p0 =	seq.s32 s7, s2  }
0x1e: {  	s7 =	smul.u32 @!p0 $0xF7A, s2;
	p2 =	seq.s32 @!p0 s5, $0x0  }
0x1f: {  	s9 =	smul.u32 $0xF7A, s1;
	s8 =	simm.s32 @!p0 $0x1BF5;
	p2 =	por !p2, p0  }
0x20: {  	[sflag:s8] =	ssyncset.s32 @!p0 $0xFFFFF086;
	s6 =	sadd.s32 @!p0 s3, s7;
	s7 =	simm.s32 @!p0 $0x108  }
0x21: {  	s3 =	sadd.s32 s3, s9;
	s6 =	sadd.s32 @!p0 $0x88, s6;
	s7 =	simm.s32 @p2 $0x1082  }
0x22: {  	[simem:s7], [sflag:s8] =	dma.local @!p0 [hbm:s6], $0xF7A  }
0x23: {  	s9 =	sor.u32 $0xD0000000, s2;
	s6 =	simm.s32 $0x108;
	_ =	swait.ge @!p0 [sflag:s8], $0x0  }
0x24: {  	s3 =	sadd.s32 $0x88, s3;
	s6 =	simm.s32 @!p1 $0x1082;
	[sflag:s4] =	ssyncset.s32 $0xFFFFF086  }
0x25: {  	[simem:s6], [sflag:s4] =	dma.local [hbm:s3], $0xF7A  }
0x26: {  	[smem:$0x3F8E] =	sst s1;
	(tag) =	ssettag s2;
	_ =	strace s9  }
0x27: {  	s1 =	sld [smem:$0x3F9E]  }
0x28: {  	s2 =	sld [smem:$0x3F9F]  }
0x29: {  	s4 =	sld [smem:$0x3FA1]  }
0x2a: {  	p0 =	seq.s32 s5, $0x0;
	s5 =	sld [smem:$0x3FA2]  }
0x2b: {  	s6 =	sld [smem:$0x3FA3]  }
0x2c: {  	s7 =	sld [smem:$0x3FA4]  }
0x2d: {  	s3 =	simm.s32 $0x108;
	s8 =	sld [smem:$0x3FA5]  }
0x2e: {  	s3 =	simm.s32 @!p0 $0x1082;
	s9 =	sld [smem:$0x3FA6]  }
0x2f: {  	lr =	sadd.s32 s0, s3;
	s0 =	sld [smem:$0x3F9D]  }
0x30: {  	s3 =	sld [smem:$0x3FA0]  }
0x31: {  	[smem:$0x3FA9] =	sst s10  }
0x32: {  	s10 =	sld [smem:$0x3FA7];
	_ =	sdelay $0x3  }
0x33: {  	p0 =	seq.s32 s10, $0x1;
	s10 =	sld [smem:$0x3FA9];
	_ =	sdelay $0x3  }
0x34: {  	[smem:$0x3FA9] =	sst s10  }
0x35: {  	s10 =	sld [smem:$0x3FA8];
	_ =	sdelay $0x3  }
0x36: {  	p1 =	seq.s32 s10, $0x1;
	s10 =	sld [smem:$0x3FA9];
	_ =	sdelay $0x3  }
0x37: {  	[smem:$0x3FA9] =	sst s10  }
0x38: {  	s10 =	sld [smem:$0x3FAA]  }
0x39: {  	_ = 	snop;
	(pc) =	sbr.ind lr, $3  }
0x3a: {  	_ = 	snop  }
0x3b: {  	_ = 	snop  }
0x3c: {  	p2 =	seq.s32 s10, $0x1;
	s10 =	sld [smem:$0x3FA9]  }
0x3d: {  	_ =	shalt  }
0x3e: {  	_ =	shalt  }
0x3f: {  	_ =	shalt  }
0x40: {  	_ =	shalt  }
0x41: {  	_ =	shalt  }
0x42: {  	_ =	shalt  }
0x43: {  	_ =	shalt  }
0x44: {  	_ =	shalt  }
0x45: {  	_ =	shalt  }
0x46: {  	_ =	shalt  }
0x47: {  	_ =	shalt  }
0x48: {  	_ =	shalt  }
0x49: {  	_ =	shalt  }
0x4a: {  	_ =	shalt  }
0x4b: {  	_ =	shalt  }
0x4c: {  	_ =	shalt  }
0x4d: {  	_ =	shalt  }
0x4e: {  	_ =	shalt  }
0x4f: {  	_ =	shalt  }
0x50: {  	_ =	shalt  }
0x51: {  	_ =	shalt  }
0x52: {  	_ =	shalt  }
0x53: {  	_ =	shalt  }
0x54: {  	_ =	shalt  }
0x55: {  	_ =	shalt  }
0x56: {  	_ =	shalt  }
0x57: {  	_ =	shalt  }
0x58: {  	_ =	shalt  }
0x59: {  	_ =	shalt  }
0x5a: {  	_ =	shalt  }
0x5b: {  	_ =	shalt  }
0x5c: {  	_ =	shalt  }
0x5d: {  	_ =	shalt  }
0x5e: {  	_ =	shalt  }
0x5f: {  	_ =	shalt  }
0x60: {  	_ =	shalt  }
0x61: {  	_ =	shalt  }
0x62: {  	_ =	shalt  }
0x63: {  	_ =	shalt  }
0x64: {  	_ =	shalt  }
0x65: {  	_ =	shalt  }
0x66: {  	_ =	shalt  }
0x67: {  	_ =	shalt  }
0x68: {  	_ =	shalt  }
0x69: {  	_ =	shalt  }
0x6a: {  	_ =	shalt  }
0x6b: {  	_ =	shalt  }
0x6c: {  	_ =	shalt  }
0x6d: {  	_ =	shalt  }
0x6e: {  	_ =	shalt  }
0x6f: {  	_ =	shalt  }
0x70: {  	_ =	shalt  }
0x71: {  	_ =	shalt  }
0x72: {  	_ =	shalt  }
0x73: {  	_ =	shalt  }
0x74: {  	_ =	shalt  }
0x75: {  	_ =	shalt  }
0x76: {  	_ =	shalt  }
0x77: {  	_ =	shalt  }
0x78: {  	_ =	shalt  }
0x79: {  	_ =	shalt  }
0x7a: {  	_ =	shalt  }
0x7b: {  	_ =	shalt  }
0x7c: {  	_ =	shalt  }
0x7d: {  	_ =	shalt  }
0x7e: {  	_ =	shalt  }
0x7f: {  	_ =	shalt  }
0x80: {  	_ =	shalt  }
0x81: {  	_ =	shalt  }
0x82: {  	_ =	shalt  }
0x83: {  	_ =	shalt  }
0x84: {  	_ =	shalt  }
0x85: {  	_ =	shalt  }
0x86: {  	_ =	shalt  }
0x87: {  	_ =	shalt  }
.Lfunc_end0:
.L_simem_size_0:
called_computation.2_lowered:
.L_overlay_start_0:
0x88: {  	s2 =	sld [smem:$0x3FD9]  }
0x89: {  	s3 =	sld [smem:$0x3FFE];
	_ =	sdelay $0x1  }
0x8a: {  	s1 =	srdreg.scid  }
0x8b: {  	s0 =	sand.u32 $0x1, s1  }
0x8c: {  	s16 =	sshll.u32 s0, $0xA;
	s2 =	sadd.s32 s3, s2  }
0x8d: {  	s2 =	sadd.s32 s2, s16  }
0x8e: {  	[smem:$0x3FB5] =	sst s2  }
0x8f: {  	_ = 	snop  }
0x90: {  	(tm) =	ssettm $0x1  }
0x91: {  	s17 =	sld [smem:$0x3FFB];
	_ =	sdelay $0x3  }
0x92: {  	_ =	strace s17  }
0x93: {  	s2 =	sld [smem:$0x3FFC];
	_ =	sdelay $0x3  }
0x94: {  	_ =	strace s2  }
0x95: {  	s2 =	sld [smem:$0x3FFD];
	_ =	sdelay $0x3  }
0x96: {  	_ =	strace s2  }
0x97: {  	_ =	strace $0x8FFFFFFF  }
0x98: {  	s18 =	sld [smem:$0x3FDB];
	_ =	sdelay $0x1  }
0x99: {  	s19 =	simm.s32 $_scs_section_size  }
0x9a: {  	s4 =	simm.s32 $_size__tile_overlayer_lowered;
	s5 =	simm.s32 $_tile_overlayer_lowered  }
0x9b: {  	s22 =	simm.s32 $0x1BFF;
	s21 =	sshll.u32 s5, $0x1;
	s2 =	sadd.s32 s19, s18  }
0x9c: {  	s6 =	simm.s32 $0x0;
	s20 =	sshll.u32 s4, $0x1;
	s4 =	sadd.s32 s21, s2  }
0x9d: {  	[timem:s6], [sflag:s22] =	dma.local [hbm:s4], s20  }
0x9e: {  	_ =	swait.ge [sflag:s22], s20  }
0x9f: {  	s3 =	ssub.s32 $0x0, s20;
	[sflag:s22] =	ssyncset.done $0x0  }
0xa0: {  	[sflag:s22] =	ssyncadd.s32 s3;
	_ =	sdelay $0x1  }
0xa1: {  	s23 =	simm.s32 $0x1B8B  }
0xa2: {  	_ =	swait.ge [sflag:s23], $0x1  }
0xa3: {  	[sflag:s23] =	ssyncset.done $0x0  }
0xa4: {  	s25 =	simm.s32 $0x1B8E;
	s24 =	sld [smem:$0x3FFE];
	[sflag:s23] =	ssyncadd.s32 $0xFFFFFFFF  }
0xa5: {  	s26 =	simm.s32 $execute0_lowered;
	[smem:$0x3FD2] =	sst s25  }
0xa6: {  	s4 =	sshll.u32 s26, $0x1;
	_ =	strace $0x8000004C;
	[dreg:$0x1] =	wrdreg $0xFFFFFFFF  }
0xa7: {  	s28 =	simm.s32 $_size_execute0_lowered;
	s2 =	sadd.s32 s2, s4;
	[dreg:$0x0] =	wrdreg $0x0  }
0xa8: {  	s4 =	sshll.u32 s28, $0x1;
	[dreg:$0x2] =	wrdreg s2  }
0xa9: {  	[dreg:$0x3] =	wrdreg s4  }
0xaa: {  	[dreg:$0x4] =	wrdreg $0xC0  }
0xab: {  	_ =	task [dreg:s6], $0x5FFFF  }
0xac: {  	[dreg:$0x1] =	wrdreg $0xFFFFFFFF  }
0xad: {  	[dreg:$0x0] =	wrdreg $0x60  }
0xae: {  	[dreg:$0x2] =	wrdreg s24  }
0xaf: {  	[dreg:$0x3] =	wrdreg $0xA0000  }
0xb0: {  	[dreg:$0x4] =	wrdreg $0x9  }
0xb1: {  	_ =	task.clear_ibuf [dreg:s6], $0x5FFFF;
	_ =	strace $0x9000004C  }
0xb2: {  	s29 =	simm.s32 $0x9;
	_ =	strace $0x8000004E  }
0xb3: {  	_ =	swait.ge [sflag:s29], $0x1  }
0xb4: {  	[sflag:s29] =	ssyncadd.s32 $0xFFFFFFFF  }
0xb5: {  	_ =	strace $0x9000004E  }
0xb6: {  	_ =	sfence  }
0xb7: {  	s30 =	sld [smem:$0x0];
	_ =	sdelay $0x2  }
0xb8: {  	s31 =	sshll.u32 s1, $0xD;
	s1 =	sshrl.u32 s1, $0x2  }
0xb9: {  	s3 =	sand.u32 $0x4000, s31;
	s1 =	sadd.s32 s1, s30  }
0xba: {  	s0 =	sor.u32 s3, s0;
	s1 =	sshll.u32 s1, $0x11  }
0xbb: {  	s0 =	sor.u32 s1, s0  }
0xbc: {  	s0 =	sadd.s32 $0x8F2B, s0  }
0xbd: {  	[sflag:s0] =	ssyncadd.remote.s32 $0x1  }
0xbe: {  	_ =	sfence.sel $0xFFFF  }
0xbf: {  	[dreg:$0x0] =	wrdreg $0xFFFFFFFF;
	(pc) =	sbr.abs _section_cstart, $3  }
0xc0: {  	[dreg:$0x1] =	wrdreg $0xFFFFFFFF  }
0xc1: {  	_ =	task.clear_ibuf [dreg:s6], $0x2FFFF;
	_ =	strace $0x9FFFFFFF  }
0xc2: {  	(tm) =	ssettm $0x7FFFFFFF  }
0xc3: {  	_ =	shalt  }
tec
execute0_lowered:
.L_overlay_start_1:
0x0: {  	(tag) =	ssettag $0x1  }
0x1: {  	s0 =	rddreg [dreg:$0x0]  }
0x2: {  	s2 =	rddreg [dreg:$0x1];
	s3 =	simm.s32 $0x0  }
0x3: {  	s1 =	srdreg.scid;
	s13 =	stileid.u32;
	s14 =	simm.s32 $0x1000  }
0x4: {  	s15 =	simm.s32 $0x40;
	s16 =	simm.s32 $0x2000;
	s17 =	simm.s32 $0x4000  }
0x5: {  	s18 =	simm.s32 $0x80;
	s19 =	simm.s32 $0x6000;
	s20 =	simm.s32 $0xC0  }
0x6: {  	s21 =	simm.s32 $0x8000;
	s22 =	simm.s32 $0x1;
	s23 =	simm.s32 $0x2  }
0x7: {  	s28 =	simm.s32 $0x6;
	s29 =	simm.s32 $0x1F00;
	s30 =	simm.s32 $0x1F80  }
0x8: {  	[smem:$0x7FF] =	sst s3;
	s1 =	sand.u32 $0x1, s1;
	s7 =	smul.u32 $0x2800, s13  }
0x9: {  	s4 =	sadd.s32 $0x16E00, s0;
	s5 =	sadd.s32 $0x71400, s0;
	s6 =	sadd.s32 $0x2E00, s0  }
0xa: {  	s11 =	smul.u32 $0x50000, s13;
	s24 =	sadd.s32 $0x66E00, s0;
	s26 =	sshll.u32 s13, $0x6  }
0xb: {  	_ =	strace $0x8000004D;
	s8 =	smul.u32 $0x28000, s1;
	s9 =	ssub.s32 $0x2, s1  }
0xc: {  	[dreg:$0x3] =	wrdreg s24;
	s1 =	sshll.u32 s1, $0x4;
	s24 =	simm.s32 $0x3  }
0xd: {  	s10 =	sshrl.u32 s9, $0x1;
	s25 =	sshrl.u32 s11, $0x2;
	s1 =	sor.u32 s13, s1  }
0xe: {  	s13 =	simm.s32 $0x7;
	s8 =	sadd.s32 s7, s8;
	s12 =	ssub.s32 s9, s10  }
0xf: {  	s31 =	sadd.s32 s25, s2;
	s9 =	smul.u32 $0x5000, s1;
	s25 =	simm.s32 $0x4  }
0x10: {  	s0 =	sadd.s32 s8, s0;
	s8 =	sor.u32 $0x1C07, s26;
	s11 =	smax.u32 s12, $0x1  }
0x11: {  	s12 =	sshrl.u32 s31, $0x3;
	s26 =	simm.s32 $0x5;
	s10 =	sadd.s32 $0xD5400, s0  }
.LBB2_1:
0x12: {  	s0 =	rddreg [dreg:$0x3]  }
0x13: {  	[spmem:s12], [sflag:s8] =	dma.local [hbm:s0], $0x2800  }
0x14: {  	_ =	swait.ge [sflag:s13], $0x2800  }
0x15: {  	[sflag:s13] =	ssyncset.done $0x0  }
0x16: {  	[sflag:s13] =	ssyncadd.s32 $0xFFFFD800  }
0x17: {  	s31 =	simm.s32 $0x0;
	[bflag:$0x0] =	sbarrier.arrive $0xFFFF  }
.LBB2_2:
0x18: {  	s0 =	sshll.u32 s31, $0xC  }
0x19: {  	s0 =	sadd.s32 s9, s0  }
0x1a: {  	s0 =	sshrl.u32 s0, $0x3  }
0x1b: {  	s7 =	simm.s32 $0x0;
	s1 =	sadd.s32 s5, s0  }
0x1c: {  	[tilespmem:s7], [sflag:$0x7] =	stream.linear.gather [hbm4b:s1+s7], $0x1000, $0x38;
	[tilespmem:$0x1E000] =	vst v63  }
0x1d: {  	_ =	swait.ge [sflag:s13], $0x1000  }
0x1e: {  	[sflag:s13] =	ssyncset.done $0x0  }
0x1f: {  	s0 =	sadd.s32 s6, s0;
	[sflag:s13] =	ssyncadd.s32 $0xFFFFF000  }
0x20: {  	[tilespmem:s14], [sflag:$0x7] =	stream.linear.gather [hbm4b:s0+s7], $0x1000, $0x38;
	[tilespmem:$0x1E000] =	vst v63  }
0x21: {  	_ =	swait.ge [sflag:s13], $0x1000  }
0x22: {  	[sflag:s13] =	ssyncset.done $0x0  }
0x23: {  	[sflag:s13] =	ssyncadd.s32 $0xFFFFF000  }
0x24: {  	[tilespmem:s16], [sflag:$0x1] =	stream.indirect.gather [hbm4b:s4+s15], $0x80, s7, s15, $0xb8;
	[tilespmem:$0x1E000] =	vst v63  }
0x25: {  	_ = 	snop  }
0x26: {  	[tilespmem:s17], [sflag:$0x2] =	stream.indirect.gather [hbm4b:s4+s15], $0x80, s15, s15, $0xb8;
	[tilespmem:$0x1E000] =	vst v63  }
0x27: {  	_ = 	snop  }
0x28: {  	[tilespmem:s19], [sflag:$0x3] =	stream.indirect.gather [hbm4b:s4+s15], $0x80, s18, s15, $0xb8;
	[tilespmem:$0x1E000] =	vst v63  }
0x29: {  	_ = 	snop  }
0x2a: {  	[tilespmem:s21], [sflag:$0x4] =	stream.indirect.gather [hbm4b:s4+s15], $0x80, s20, s15, $0xb8;
	[tilespmem:$0x1E000] =	vst v63  }
0x2b: {  	_ =	swait.ge [sflag:s22], $0x2000  }
0x2c: {  	[sflag:s22] =	ssyncset.done $0x0  }
0x2d: {  	[sflag:s22] =	ssyncadd.s32 $0xFFFFE000  }
0x2e: {  	_ =	swait.ge [sflag:s23], $0x2000  }
0x2f: {  	[sflag:s23] =	ssyncset.done $0x0  }
0x30: {  	s7 =	simm.s32 $0x1000;
	[sflag:s23] =	ssyncadd.s32 $0xFFFFE000  }
0x31: {  	[spmem:s2] =	stream.indirect.scatter.add.f32 [tilespmem:s16], [sflag:$0x5], $0x80, s7, s18, $0xb8;
	[tilespmem:$0x1E000] =	vst v63  }
0x32: {  	_ =	swait.ge [sflag:s24], $0x2000  }
0x33: {  	[sflag:s24] =	ssyncset.done $0x0  }
0x34: {  	[sflag:s24] =	ssyncadd.s32 $0xFFFFE000  }
0x35: {  	_ =	swait.ge [sflag:s25], $0x2000  }
0x36: {  	[sflag:s25] =	ssyncset.done $0x0  }
0x37: {  	s1 =	simm.s32 $0x1080;
	[sflag:s25] =	ssyncadd.s32 $0xFFFFE000  }
0x38: {  	[spmem:s2] =	stream.indirect.scatter.add.f32 [tilespmem:s19], [sflag:$0x6], $0x80, s1, s18, $0xb8;
	[tilespmem:$0x1E000] =	vst v63  }
0x39: {  	_ =	swait.ge [sflag:s26], $0x4000  }
0x3a: {  	[sflag:s26] =	ssyncset.done $0x0  }
0x3b: {  	s7 =	simm.s32 $0x100;
	[sflag:s26] =	ssyncadd.s32 $0xFFFFC000  }
0x3c: {  	[tilespmem:s16], [sflag:$0x1] =	stream.indirect.gather [hbm4b:s4+s15], $0x80, s7, s15, $0xb8;
	[tilespmem:$0x1E000] =	vst v63  }
0x3d: {  	s1 =	simm.s32 $0x140  }
0x3e: {  	[tilespmem:s17], [sflag:$0x2] =	stream.indirect.gather [hbm4b:s4+s15], $0x80, s1, s15, $0xb8;
	[tilespmem:$0x1E000] =	vst v63  }
0x3f: {  	_ =	swait.ge [sflag:s28], $0x4000  }
0x40: {  	s0 =	simm.s32 $0x400;
	[sflag:s28] =	ssyncset.done $0x0  }
0x41: {  	s7 =	simm.s32 $0x180;
	s1 =	simm.s32 $0x1C0;
	[sflag:s28] =	ssyncadd.s32 $0xFFFFC000  }
0x42: {  	[tilespmem:s19], [sflag:$0x3] =	stream.indirect.gather [hbm4b:s4+s15], $0x80, s7, s15, $0xb8;
	[tilespmem:$0x1E000] =	vst v63  }
.LBB2_3:
0x43: {  	[tilespmem:s21], [sflag:$0x4] =	stream.indirect.gather [hbm4b:s4+s15], $0x80, s1, s15, $0xb8;
	[tilespmem:$0x1E000] =	vst v63  }
0x44: {  	s1 =	smov.u32 s0  }
0x45: {  	p0 =	sne.s32 s0, $0x3800;
	s0 =	sadd.s32 $0x400, s0;
	_ =	swait.ge [sflag:s22], $0x2000  }
0x46: {  	[sflag:s22] =	ssyncset.done $0x0  }
0x47: {  	[sflag:s22] =	ssyncadd.s32 $0xFFFFE000  }
0x48: {  	_ =	swait.ge [sflag:s23], $0x2000  }
0x49: {  	s1 =	sshra.s32 s1, $0x2;
	[sflag:s23] =	ssyncset.done $0x0  }
0x4a: {  	s7 =	sadd.s32 $0x1000, s1;
	[sflag:s23] =	ssyncadd.s32 $0xFFFFE000  }
0x4b: {  	[spmem:s2] =	stream.indirect.scatter.add.f32 [tilespmem:s16], [sflag:$0x5], $0x80, s7, s18, $0xb8;
	[tilespmem:$0x1E000] =	vst v63  }
0x4c: {  	_ =	swait.ge [sflag:s24], $0x2000  }
0x4d: {  	[sflag:s24] =	ssyncset.done $0x0  }
0x4e: {  	[sflag:s24] =	ssyncadd.s32 $0xFFFFE000  }
0x4f: {  	_ =	swait.ge [sflag:s25], $0x2000  }
0x50: {  	[sflag:s25] =	ssyncset.done $0x0  }
0x51: {  	s7 =	sadd.s32 $0x1080, s1;
	[sflag:s25] =	ssyncadd.s32 $0xFFFFE000  }
0x52: {  	[spmem:s2] =	stream.indirect.scatter.add.f32 [tilespmem:s19], [sflag:$0x6], $0x80, s7, s18, $0xb8;
	[tilespmem:$0x1E000] =	vst v63  }
0x53: {  	_ =	swait.ge [sflag:s26], $0x4000  }
0x54: {  	[sflag:s26] =	ssyncset.done $0x0  }
0x55: {  	s7 =	sadd.s32 $0x100, s1;
	[sflag:s26] =	ssyncadd.s32 $0xFFFFC000  }
0x56: {  	[tilespmem:s16], [sflag:$0x1] =	stream.indirect.gather [hbm4b:s4+s15], $0x80, s7, s15, $0xb8;
	[tilespmem:$0x1E000] =	vst v63  }
0x57: {  	s7 =	sadd.s32 $0x140, s1  }
0x58: {  	[tilespmem:s17], [sflag:$0x2] =	stream.indirect.gather [hbm4b:s4+s15], $0x80, s7, s15, $0xb8;
	[tilespmem:$0x1E000] =	vst v63  }
.Ltmp0:
0x59: {  	_ =	swait.ge [sflag:s28], $0x4000;
	(pc) =	sbr.rel @p0 .LBB2_3-.Ltmp0, $4  }
0x5a: {  	[sflag:s28] =	ssyncset.done $0x0  }
0x5b: {  	s7 =	sadd.s32 $0x180, s1;
	[sflag:s28] =	ssyncadd.s32 $0xFFFFC000  }
0x5c: {  	[tilespmem:s19], [sflag:$0x3] =	stream.indirect.gather [hbm4b:s4+s15], $0x80, s7, s15, $0xb8;
	[tilespmem:$0x1E000] =	vst v63  }
0x5d: {  	s1 =	sadd.s32 $0x1C0, s1  }
0x5e: {  	[tilespmem:s21], [sflag:$0x4] =	stream.indirect.gather [hbm4b:s4+s15], $0x80, s1, s15, $0xb8;
	[tilespmem:$0x1E000] =	vst v63  }
0x5f: {  	_ =	swait.ge [sflag:s22], $0x2000  }
0x60: {  	[sflag:s22] =	ssyncset.done $0x0  }
0x61: {  	[sflag:s22] =	ssyncadd.s32 $0xFFFFE000  }
0x62: {  	_ =	swait.ge [sflag:s23], $0x2000  }
0x63: {  	[sflag:s23] =	ssyncset.done $0x0  }
0x64: {  	[sflag:s23] =	ssyncadd.s32 $0xFFFFE000  }
0x65: {  	[spmem:s2] =	stream.indirect.scatter.add.f32 [tilespmem:s16], [sflag:$0x5], $0x80, s29, s18, $0xb8;
	[tilespmem:$0x1E000] =	vst v63  }
0x66: {  	_ =	swait.ge [sflag:s24], $0x2000  }
0x67: {  	[sflag:s24] =	ssyncset.done $0x0  }
0x68: {  	[sflag:s24] =	ssyncadd.s32 $0xFFFFE000  }
0x69: {  	_ =	swait.ge [sflag:s25], $0x2000  }
0x6a: {  	[sflag:s25] =	ssyncset.done $0x0  }
0x6b: {  	s31 =	sadd.s32 $0x1, s31;
	[sflag:s25] =	ssyncadd.s32 $0xFFFFE000  }
0x6c: {  	[spmem:s2] =	stream.indirect.scatter.add.f32 [tilespmem:s19], [sflag:$0x6], $0x80, s30, s18, $0xb8;
	[tilespmem:$0x1E000] =	vst v63  }
0x6d: {  	p0 =	sne.s32 s31, $0x5;
	_ =	swait.ge [sflag:s26], $0x4000  }
.Ltmp1:
0x6e: {  	[sflag:s26] =	ssyncset.done $0x0;
	(pc) =	sbr.rel @p0 .LBB2_2-.Ltmp1, $4  }
0x6f: {  	[sflag:s26] =	ssyncadd.s32 $0xFFFFC000  }
0x70: {  	_ =	swait.ge [sflag:s28], $0x4000  }
0x71: {  	[sflag:s28] =	ssyncset.done $0x0  }
0x72: {  	[sflag:s28] =	ssyncadd.s32 $0xFFFFC000  }
0x73: {  	s3 =	sadd.s32 $0x1, s3  }
0x74: {  	p0 =	sne.s32 s3, s11  }
.Ltmp2:
0x75: {  	[bflag:$0x0] =	sbarrier.arrive $0xFFFF;
	(pc) =	sbr.rel @p0 .LBB2_1-.Ltmp2, $4  }
0x76: {  	[hbm:s10], [sflag:s8] =	dma.local [spmem:s12], $0x2800  }
0x77: {  	_ =	swait.ge [sflag:s13], $0x2800  }
0x78: {  	[sflag:s13] =	ssyncset.done $0x0  }
0x79: {  	[sflag:s13] =	ssyncadd.s32 $0xFFFFD800  }
0x7a: {  	_ =	sfence.sel $0x180000  }
0x7b: {  	[bflag:$0x0] =	sbarrier.arrive $0xFFFF  }
0x7c: {  	_ =	strace $0x9000004D  }
0x7d: {  	s0 =	stileid.u32;
	[bflag:$0x2] =	sbarrier.arrive $0xFFFF  }
0x7e: {  	p0 =	sne.s32 s0, $0x0;
	s0 =	rddreg [dreg:$0x2]  }
0x7f: {  	s0 =	sadd.s32 @!p0 $0x100000, s0  }
0x80: {  	[sflag:s0] =	ssyncadd.tile.s32 @!p0 $0x1;
	_ =	shalt  }
.Lfunc_end2:
_tile_overlayer_lowered:
.L_overlay_start_2:
0x81: {  	(tag) =	ssettag $0x2  }
0x82: {  	s0 =	rddreg [dreg:$0x0];
	s2 =	stileid.u32  }
0x83: {  	s1 =	rddreg [dreg:$0x1];
	p0 =	sne.s32 s2, $0x0  }
0x84: {  	s3 =	rddreg [dreg:$0x2];
	[bflag:$0x3] =	sbarrier.arrive $0xFFFF;
	s2 =	simm.s32 @!p0 $0x1C07  }
0x85: {  	[timem:s3], [sflag:s2] =	dma.local @!p0 [hbm:s0], s1  }
0x86: {  	s0 =	simm.s32 @!p0 $0x7  }
0x87: {  	_ =	swait.ge @!p0 [sflag:s0], s1  }
0x88: {  	s1 =	ssub.s32 @!p0 $0x0, s1;
	[sflag:s0] =	ssyncset.done @!p0 $0x0  }
0x89: {  	[sflag:s0] =	ssyncadd.s32 @!p0 s1  }
0x8a: {  	[bflag:$0x3] =	sbarrier.arrive $0xFFFF  }
0x8b: {  	_ =	shalt  }

// kernel: kernel.8.cloned.1.call-start
scs
__scs_entry_jumppad:
0x0: {  	(pc) =	sbr.rel $0x88, $3  }
0x1: {  	(tag) =	ssettag $0x0;
	lr =	simm.s32 $0x1  }
0x2: {  	[smem:$0x3F8E] =	sst lr;
	_ =	strace $0xD0000000  }
0x3: {  	_ = 	snop  }
0x4: {  	_ = 	snop  }
0x5: {  	_ = 	snop  }
0x6: {  	_ = 	snop  }
0x7: {  	_ = 	snop  }
__scs_overlays_trampoline_lowered:
0x8: {  	[smem:$0x3F9D] =	sst s0  }
0x9: {  	[smem:$0x3F9E] =	sst s1  }
0xa: {  	[smem:$0x3F9F] =	sst s2  }
0xb: {  	[smem:$0x3FA0] =	sst s3  }
0xc: {  	[smem:$0x3FA1] =	sst s4  }
0xd: {  	[smem:$0x3FA2] =	sst s5  }
0xe: {  	[smem:$0x3FA3] =	sst s6  }
0xf: {  	[smem:$0x3FA4] =	sst s7  }
0x10: {  	[smem:$0x3FA5] =	sst s8  }
0x11: {  	[smem:$0x3FA6] =	sst s9;
	s0 =	simm.s32 @!p0 $0x0  }
0x12: {  	s1 =	sld [smem:$0x3F8C];
	s0 =	simm.s32 @p0 $0x1  }
0x13: {  	[smem:$0x3FA7] =	sst s0;
	s0 =	simm.s32 @!p1 $0x0  }
0x14: {  	s2 =	sld [smem:$0x3F8B];
	s0 =	simm.s32 @p1 $0x1  }
0x15: {  	[smem:$0x3FA8] =	sst s0;
	s0 =	simm.s32 @!p2 $0x0  }
0x16: {  	s3 =	sld [smem:$0x3FDB];
	s0 =	simm.s32 @p2 $0x1  }
0x17: {  	s4 =	simm.s32 $0x1BF5;
	[smem:$0x3FAA] =	sst s0  }
0x18: {  	s0 =	sld [smem:$0x3F8D];
	_ =	swait.ge [sflag:s4], $0x0  }
0x19: {  	s7 =	sld [smem:$0x3F8E]  }
0x1a: {  	s8 =	sadd.s32 $0xFFFFE003, lr  }
0x1b: {  	s9 =	sadd.s32 $0xFFFFFEF7, lr;
	s5 =	simm.s32 $0xFFFFFFFF;
	p2 =	slt.u32 s8, $0xFFFFF086  }
0x1c: {  	p1 =	slt.u32 s9, $0xF7A;
	s5 =	simm.s32 @!p2 $0x0  }
0x1d: {  	s5 =	simm.s32 @p1 $0x1;
	p0 =	seq.s32 s7, s2  }
0x1e: {  	s7 =	smul.u32 @!p0 $0xF7A, s2;
	p2 =	seq.s32 @!p0 s5, $0x0  }
0x1f: {  	s9 =	smul.u32 $0xF7A, s1;
	s8 =	simm.s32 @!p0 $0x1BF5;
	p2 =	por !p2, p0  }
0x20: {  	[sflag:s8] =	ssyncset.s32 @!p0 $0xFFFFF086;
	s6 =	sadd.s32 @!p0 s3, s7;
	s7 =	simm.s32 @!p0 $0x108  }
0x21: {  	s3 =	sadd.s32 s3, s9;
	s6 =	sadd.s32 @!p0 $0x88, s6;
	s7 =	simm.s32 @p2 $0x1082  }
0x22: {  	[simem:s7], [sflag:s8] =	dma.local @!p0 [hbm:s6], $0xF7A  }
0x23: {  	s9 =	sor.u32 $0xD0000000, s2;
	s6 =	simm.s32 $0x108;
	_ =	swait.ge @!p0 [sflag:s8], $0x0  }
0x24: {  	s3 =	sadd.s32 $0x88, s3;
	s6 =	simm.s32 @!p1 $0x1082;
	[sflag:s4] =	ssyncset.s32 $0xFFFFF086  }
0x25: {  	[simem:s6], [sflag:s4] =	dma.local [hbm:s3], $0xF7A  }
0x26: {  	[smem:$0x3F8E] =	sst s1;
	(tag) =	ssettag s2;
	_ =	strace s9  }
0x27: {  	s1 =	sld [smem:$0x3F9E]  }
0x28: {  	s2 =	sld [smem:$0x3F9F]  }
0x29: {  	s4 =	sld [smem:$0x3FA1]  }
0x2a: {  	p0 =	seq.s32 s5, $0x0;
	s5 =	sld [smem:$0x3FA2]  }
0x2b: {  	s6 =	sld [smem:$0x3FA3]  }
0x2c: {  	s7 =	sld [smem:$0x3FA4]  }
0x2d: {  	s3 =	simm.s32 $0x108;
	s8 =	sld [smem:$0x3FA5]  }
0x2e: {  	s3 =	simm.s32 @!p0 $0x1082;
	s9 =	sld [smem:$0x3FA6]  }
0x2f: {  	lr =	sadd.s32 s0, s3;
	s0 =	sld [smem:$0x3F9D]  }
0x30: {  	s3 =	sld [smem:$0x3FA0]  }
0x31: {  	[smem:$0x3FA9] =	sst s10  }
0x32: {  	s10 =	sld [smem:$0x3FA7];
	_ =	sdelay $0x3  }
0x33: {  	p0 =	seq.s32 s10, $0x1;
	s10 =	sld [smem:$0x3FA9];
	_ =	sdelay $0x3  }
0x34: {  	[smem:$0x3FA9] =	sst s10  }
0x35: {  	s10 =	sld [smem:$0x3FA8];
	_ =	sdelay $0x3  }
0x36: {  	p1 =	seq.s32 s10, $0x1;
	s10 =	sld [smem:$0x3FA9];
	_ =	sdelay $0x3  }
0x37: {  	[smem:$0x3FA9] =	sst s10  }
0x38: {  	s10 =	sld [smem:$0x3FAA]  }
0x39: {  	_ = 	snop;
	(pc) =	sbr.ind lr, $3  }
0x3a: {  	_ = 	snop  }
0x3b: {  	_ = 	snop  }
0x3c: {  	p2 =	seq.s32 s10, $0x1;
	s10 =	sld [smem:$0x3FA9]  }
0x3d: {  	_ =	shalt  }
0x3e: {  	_ =	shalt  }
0x3f: {  	_ =	shalt  }
0x40: {  	_ =	shalt  }
0x41: {  	_ =	shalt  }
0x42: {  	_ =	shalt  }
0x43: {  	_ =	shalt  }
0x44: {  	_ =	shalt  }
0x45: {  	_ =	shalt  }
0x46: {  	_ =	shalt  }
0x47: {  	_ =	shalt  }
0x48: {  	_ =	shalt  }
0x49: {  	_ =	shalt  }
0x4a: {  	_ =	shalt  }
0x4b: {  	_ =	shalt  }
0x4c: {  	_ =	shalt  }
0x4d: {  	_ =	shalt  }
0x4e: {  	_ =	shalt  }
0x4f: {  	_ =	shalt  }
0x50: {  	_ =	shalt  }
0x51: {  	_ =	shalt  }
0x52: {  	_ =	shalt  }
0x53: {  	_ =	shalt  }
0x54: {  	_ =	shalt  }
0x55: {  	_ =	shalt  }
0x56: {  	_ =	shalt  }
0x57: {  	_ =	shalt  }
0x58: {  	_ =	shalt  }
0x59: {  	_ =	shalt  }
0x5a: {  	_ =	shalt  }
0x5b: {  	_ =	shalt  }
0x5c: {  	_ =	shalt  }
0x5d: {  	_ =	shalt  }
0x5e: {  	_ =	shalt  }
0x5f: {  	_ =	shalt  }
0x60: {  	_ =	shalt  }
0x61: {  	_ =	shalt  }
0x62: {  	_ =	shalt  }
0x63: {  	_ =	shalt  }
0x64: {  	_ =	shalt  }
0x65: {  	_ =	shalt  }
0x66: {  	_ =	shalt  }
0x67: {  	_ =	shalt  }
0x68: {  	_ =	shalt  }
0x69: {  	_ =	shalt  }
0x6a: {  	_ =	shalt  }
0x6b: {  	_ =	shalt  }
0x6c: {  	_ =	shalt  }
0x6d: {  	_ =	shalt  }
0x6e: {  	_ =	shalt  }
0x6f: {  	_ =	shalt  }
0x70: {  	_ =	shalt  }
0x71: {  	_ =	shalt  }
0x72: {  	_ =	shalt  }
0x73: {  	_ =	shalt  }
0x74: {  	_ =	shalt  }
0x75: {  	_ =	shalt  }
0x76: {  	_ =	shalt  }
0x77: {  	_ =	shalt  }
0x78: {  	_ =	shalt  }
0x79: {  	_ =	shalt  }
0x7a: {  	_ =	shalt  }
0x7b: {  	_ =	shalt  }
0x7c: {  	_ =	shalt  }
0x7d: {  	_ =	shalt  }
0x7e: {  	_ =	shalt  }
0x7f: {  	_ =	shalt  }
0x80: {  	_ =	shalt  }
0x81: {  	_ =	shalt  }
0x82: {  	_ =	shalt  }
0x83: {  	_ =	shalt  }
0x84: {  	_ =	shalt  }
0x85: {  	_ =	shalt  }
0x86: {  	_ =	shalt  }
0x87: {  	_ =	shalt  }
.Lfunc_end0:
.L_simem_size_0:
called_computation_lowered:
.L_overlay_start_0:
0x88: {  	s2 =	sld [smem:$0x3FD9]  }
0x89: {  	s3 =	sld [smem:$0x3FFE];
	_ =	sdelay $0x1  }
0x8a: {  	s1 =	srdreg.scid  }
0x8b: {  	s0 =	sand.u32 $0x1, s1  }
0x8c: {  	s16 =	sshll.u32 s0, $0xA;
	s2 =	sadd.s32 s3, s2  }
0x8d: {  	s2 =	sadd.s32 s2, s16  }
0x8e: {  	[smem:$0x3FB5] =	sst s2  }
0x8f: {  	_ = 	snop  }
0x90: {  	(tm) =	ssettm $0x1  }
0x91: {  	s17 =	sld [smem:$0x3FFB];
	_ =	sdelay $0x3  }
0x92: {  	_ =	strace s17  }
0x93: {  	s2 =	sld [smem:$0x3FFC];
	_ =	sdelay $0x3  }
0x94: {  	_ =	strace s2  }
0x95: {  	s2 =	sld [smem:$0x3FFD];
	_ =	sdelay $0x3  }
0x96: {  	_ =	strace s2  }
0x97: {  	_ =	strace $0x8FFFFFFF  }
0x98: {  	s18 =	sld [smem:$0x3FDB];
	_ =	sdelay $0x1  }
0x99: {  	s19 =	simm.s32 $_scs_section_size  }
0x9a: {  	s4 =	simm.s32 $_size__tile_overlayer_lowered;
	s5 =	simm.s32 $_tile_overlayer_lowered  }
0x9b: {  	s22 =	simm.s32 $0x1BFF;
	s21 =	sshll.u32 s5, $0x1;
	s2 =	sadd.s32 s19, s18  }
0x9c: {  	s6 =	simm.s32 $0x0;
	s20 =	sshll.u32 s4, $0x1;
	s4 =	sadd.s32 s21, s2  }
0x9d: {  	[timem:s6], [sflag:s22] =	dma.local [hbm:s4], s20  }
0x9e: {  	_ =	swait.ge [sflag:s22], s20  }
0x9f: {  	s3 =	ssub.s32 $0x0, s20;
	[sflag:s22] =	ssyncset.done $0x0  }
0xa0: {  	[sflag:s22] =	ssyncadd.s32 s3;
	_ =	sdelay $0x1  }
0xa1: {  	s23 =	simm.s32 $0x1B8B  }
0xa2: {  	_ =	swait.ge [sflag:s23], $0x1  }
0xa3: {  	[sflag:s23] =	ssyncset.done $0x0  }
0xa4: {  	s25 =	simm.s32 $0x1B8E;
	s24 =	sld [smem:$0x3FFE];
	[sflag:s23] =	ssyncadd.s32 $0xFFFFFFFF  }
0xa5: {  	s26 =	simm.s32 $execute0_lowered;
	[smem:$0x3FD2] =	sst s25  }
0xa6: {  	s4 =	sshll.u32 s26, $0x1;
	_ =	strace $0x80000046;
	[dreg:$0x1] =	wrdreg $0xFFFFFFFF  }
0xa7: {  	s28 =	simm.s32 $_size_execute0_lowered;
	s2 =	sadd.s32 s2, s4;
	[dreg:$0x0] =	wrdreg $0x0  }
0xa8: {  	s4 =	sshll.u32 s28, $0x1;
	[dreg:$0x2] =	wrdreg s2  }
0xa9: {  	[dreg:$0x3] =	wrdreg s4  }
0xaa: {  	[dreg:$0x4] =	wrdreg $0xC0  }
0xab: {  	_ =	task [dreg:s6], $0x5FFFF  }
0xac: {  	[dreg:$0x1] =	wrdreg $0xFFFFFFFF  }
0xad: {  	[dreg:$0x0] =	wrdreg $0x60  }
0xae: {  	[dreg:$0x2] =	wrdreg s24  }
0xaf: {  	[dreg:$0x3] =	wrdreg $0x9  }
0xb0: {  	_ =	task.clear_ibuf [dreg:s6], $0x4FFFF;
	_ =	strace $0x90000046  }
0xb1: {  	s29 =	simm.s32 $0x9;
	_ =	strace $0x80000048  }
0xb2: {  	_ =	swait.ge [sflag:s29], $0x1  }
0xb3: {  	[sflag:s29] =	ssyncadd.s32 $0xFFFFFFFF  }
0xb4: {  	_ =	strace $0x90000048  }
0xb5: {  	_ =	sfence  }
0xb6: {  	s30 =	sld [smem:$0x0];
	_ =	sdelay $0x2  }
0xb7: {  	s31 =	sshll.u32 s1, $0xD;
	s1 =	sshrl.u32 s1, $0x2  }
0xb8: {  	s3 =	sand.u32 $0x4000, s31;
	s1 =	sadd.s32 s1, s30  }
0xb9: {  	s0 =	sor.u32 s3, s0;
	s1 =	sshll.u32 s1, $0x11  }
0xba: {  	s0 =	sor.u32 s1, s0  }
0xbb: {  	s0 =	sadd.s32 $0x8F2B, s0  }
0xbc: {  	[sflag:s0] =	ssyncadd.remote.s32 $0x1  }
0xbd: {  	_ =	sfence.sel $0xFFFF  }
0xbe: {  	[dreg:$0x0] =	wrdreg $0xFFFFFFFF;
	(pc) =	sbr.abs _section_cstart, $3  }
0xbf: {  	[dreg:$0x1] =	wrdreg $0xFFFFFFFF  }
0xc0: {  	_ =	task.clear_ibuf [dreg:s6], $0x2FFFF;
	_ =	strace $0x9FFFFFFF  }
0xc1: {  	(tm) =	ssettm $0x7FFFFFFF  }
tec
execute0_lowered:
.L_overlay_start_1:
0x0: {  	(tag) =	ssettag $0x1  }
0x1: {  	s0 =	srdreg.scid  }
0x2: {  	s4 =	rddreg [dreg:$0x0];
	s3 =	sand.u32 $0x1, s0  }
0x3: {  	s2 =	simm.s32 $0x0;
	s0 =	stileid.u32;
	s1 =	sshll.u32 s3, $0x4  }
0x4: {  	s9 =	simm.s32 $0x0;
	[smem:$0x7FF] =	sst s2;
	s5 =	sor.u32 s0, s1  }
0x5: {  	s7 =	ssub.s32 $0x2, s3;
	s3 =	sadd.s32 $0x16E00, s4;
	s6 =	smul.u32 $0xA00, s5  }
0x6: {  	s1 =	rddreg [dreg:$0x1];
	s8 =	sshrl.u32 s7, $0x1;
	s5 =	smul.u32 $0x500, s5  }
0x7: {  	_ =	strace $0x80000047;
	s7 =	ssub.s32 s7, s8;
	s6 =	sadd.s32 s6, s4  }
0x8: {  	s8 =	simm.s32 $0x1;
	s5 =	sadd.s32 s5, s4;
	s4 =	sadd.s32 $0x2E00, s6  }
0x9: {  	v0 =	vimm.f32 $1.000000000e+00;
	s5 =	sadd.s32 $0x17400, s5;
	s6 =	smax.u32 s7, $0x1;
	s7 =	simm.s32 $0x5000  }
.LBB2_1:
0xa: {  	[tilespmem:s7], [sflag:$0x1] =	stream.linear.gather [hbm4b:s3+s2], $0x2800, $0x38;
	[tilespmem:$0x7800] =	vst v63  }
0xb: {  	_ =	swait.ge [sflag:s8], $0x2800  }
0xc: {  	[sflag:s8] =	ssyncset.done $0x0  }
0xd: {  	[sflag:s8] =	ssyncadd.s32 $0xFFFFD800  }
0xe: {  	[tilespmem:s2], [sflag:$0x1] =	stream.linear.gather [hbm4b:s4+s2], $0x5000, $0x38;
	[tilespmem:$0x7800] =	vst v63  }
0xf: {  	_ =	swait.ge [sflag:s8], $0x5000  }
0x10: {  	[sflag:s8] =	ssyncset.done $0x0  }
0x11: {  	s11 =	sand.u32 $0x7FF0, s2;
	s10 =	simm.s32 $0x10;
	[sflag:s8] =	ssyncadd.s32 $0xFFFFB000  }
.LBB2_2:
0x12: {  	p0 =	sne.s32 s10, $0x4FF0;
	v1 =	vld [tilespmem:s11+$0x0];
	_ =	sdelay $0x3  }
.Ltmp0:
0x13: {  	(pc) =	sbr.rel @p0 .LBB2_2-.Ltmp0, $2  }
0x14: {  	_ =	sdelay $0x2  }
0x15: {  	s11 =	sand.u32 $0x7FF0, s10;
	s10 =	sadd.s32 $0x10, s10;
	[tilespmem:v1+s7+$0x0] =	vst.idx.add.f32.msk $0xffff, v0  }
0x16: {  	v1 =	vld [tilespmem:s11+$0x0];
	_ =	sdelay $0x5  }
0x17: {  	s9 =	sadd.s32 $0x1, s9  }
0x18: {  	p0 =	sne.s32 s9, s6  }
.Ltmp1:
0x19: {  	[tilespmem:v1+s7+$0x0] =	vst.idx.add.f32.msk $0xffff, v0;
	(pc) =	sbr.rel @p0 .LBB2_1-.Ltmp1, $4  }
0x1a: {  	[hbm4b:s5+s2] =	stream.linear.scatter [tilespmem:s7], [sflag:$0x1], $0x2800, $0x38;
	[tilespmem:$0x7800] =	vst v63  }
0x1b: {  	_ =	swait.ge [sflag:s8], $0x2800  }
0x1c: {  	[sflag:s8] =	ssyncset.done $0x0  }
0x1d: {  	[sflag:s8] =	ssyncadd.s32 $0xFFFFD800  }
0x1e: {  	_ =	sfence.sel $0x180000  }
0x1f: {  	[bflag:$0x0] =	sbarrier.arrive $0xFFFF  }
0x20: {  	p0 =	sne.s32 s0, $0x0;
	_ =	strace $0x90000047  }
0x21: {  	s0 =	sadd.s32 @!p0 $0x100000, s1;
	[bflag:$0x2] =	sbarrier.arrive $0xFFFF  }
0x22: {  	[sflag:s0] =	ssyncadd.tile.s32 @!p0 $0x1;
	_ =	shalt  }
.Lfunc_end2:
_tile_overlayer_lowered:
.L_overlay_start_2:
0x23: {  	(tag) =	ssettag $0x2  }
0x24: {  	s0 =	rddreg [dreg:$0x0];
	s2 =	stileid.u32  }
0x25: {  	s1 =	rddreg [dreg:$0x1];
	p0 =	sne.s32 s2, $0x0  }
0x26: {  	s3 =	rddreg [dreg:$0x2];
	[bflag:$0x3] =	sbarrier.arrive $0xFFFF;
	s2 =	simm.s32 @!p0 $0x1C01  }
0x27: {  	[timem:s3], [sflag:s2] =	dma.local @!p0 [hbm:s0], s1  }
0x28: {  	s0 =	simm.s32 @!p0 $0x1  }
0x29: {  	_ =	swait.ge @!p0 [sflag:s0], s1  }
0x2a: {  	s1 =	ssub.s32 @!p0 $0x0, s1;
	[sflag:s0] =	ssyncset.done @!p0 $0x0  }
0x2b: {  	[sflag:s0] =	ssyncadd.s32 @!p0 s1  }
0x2c: {  	[bflag:$0x3] =	sbarrier.arrive $0xFFFF  }
0x2d: {  	_ =	shalt  }

</sc_bundles>
